<compile_context>
chip_gen: v7x
topology: tpu7x:2x2x1
jax: 0.10.2.dev20260603
libtpu: 0.0.44.dev20260713+nightly
codegen_flags: <defaults>
</compile_context>

<pallas_src>
import functools

import jax
import jax.numpy as jnp
from jax import lax
from jax.experimental import pallas as pl
from jax.experimental.pallas import tpu as pltpu
from jax.experimental.pallas import tpu_sc as plsc

N = 100000
CONT_DIM = 32
N_ATOMS = 44
N_AA = 22
N_HYB = 8
EMB_ATOM = 16
EMB_AA = 8
EMB_HYB = 8
EMB_DIM = EMB_ATOM + EMB_AA + EMB_HYB
OUT_DIM = EMB_DIM + CONT_DIM
FUSED_ROWS = N_ATOMS * N_AA * N_HYB

NUM_WORKERS = 32
CHUNK = 400
NUM_CHUNKS = N // CHUNK
CHUNKS_PER_WORKER = -(-NUM_CHUNKS // NUM_WORKERS)
LANES = 16
PACK = 128 // EMB_DIM
PACKED_ROWS = N // PACK
CHUNK_PACKED = CHUNK // PACK

_mesh = plsc.VectorSubcoreMesh(core_axis_name="c", subcore_axis_name="s")


@functools.partial(
    pl.kernel,
    out_type=jax.ShapeDtypeStruct((N, 128), jnp.float32),
    mesh=_mesh,
    scratch_types=[
        pltpu.VMEM((CHUNK,), jnp.int32),
        pltpu.VMEM((CHUNK,), jnp.int32),
        pltpu.VMEM((CHUNK,), jnp.int32),
        pltpu.VMEM((CHUNK, 128), jnp.float32),
        pltpu.VMEM((CHUNK, 128), jnp.float32),
        pltpu.SemaphoreType.DMA,
        pltpu.SemaphoreType.DMA,
        pltpu.SemaphoreType.DMA,
        pltpu.SemaphoreType.DMA,
    ],
    compiler_params=pltpu.CompilerParams(use_tc_tiling_on_sc=False),
)
def _gather_sc(atom_idx, aa_idx, hyb_idx, fused_tab, out,
               ia_v, ib_v, ih_v, o_v0, o_v1, sem_i, sem_g, sem_o0, sem_o1):
    wid = lax.axis_index("s") * 2 + lax.axis_index("c")
    bufs = (o_v0, o_v1)
    osems = (sem_o0, sem_o1)
    pending = [None, None]

    for t in range(CHUNKS_PER_WORKER):
        b = t % 2
        if pending[b] is not None:
            pending[b].wait()
        chunk = jnp.minimum(wid + NUM_WORKERS * t, NUM_CHUNKS - 1)
        base = chunk * CHUNK
        rows = pl.ds(base, CHUNK)
        ca = pltpu.async_copy(atom_idx.at[rows], ia_v, sem_i)
        cb = pltpu.async_copy(aa_idx.at[rows], ib_v, sem_i)
        ch = pltpu.async_copy(hyb_idx.at[rows], ih_v, sem_i)
        ca.wait()
        cb.wait()
        ch.wait()

        def fuse(i, _):
            s = pl.ds(i * LANES, LANES)
            ia_v[s] = (ia_v[s] * (N_AA * N_HYB) + ib_v[s] * N_HYB
                       + ih_v[s])
            return 0

        lax.fori_loop(0, CHUNK // LANES, fuse, 0)

        pltpu.async_copy(fused_tab.at[ia_v], bufs[b], sem_g).wait()
        pending[b] = pltpu.async_copy(bufs[b], out.at[rows], osems[b])
    for p in pending:
        p.wait()


TC_BLOCK = 8192


def _concat_tc(emb_ref, cont_ref, out_ref):
    e = emb_ref[...].reshape(TC_BLOCK, 128)[:, 0:EMB_DIM]
    out_ref[0:EMB_DIM, :] = jnp.transpose(e)
    out_ref[EMB_DIM:OUT_DIM, :] = cont_ref[...]


_concat_call = pl.pallas_call(
    _concat_tc,
    grid=(-(-N // TC_BLOCK),),
    in_specs=[
        pl.BlockSpec((TC_BLOCK // 8, 8, 128), lambda i: (i, 0, 0)),
        pl.BlockSpec((CONT_DIM, TC_BLOCK), lambda i: (0, i)),
    ],
    out_specs=pl.BlockSpec((OUT_DIM, TC_BLOCK), lambda i: (0, i)),
    out_shape=jax.ShapeDtypeStruct((OUT_DIM, N), jnp.float32),
)


def kernel(atom_idx, aa_idx, hyb_idx, cont_feat, atom_table, aa_table, hyb_table):
    fused_tab = jnp.concatenate(
        [
            jnp.broadcast_to(atom_table[:, None, None, :],
                             (N_ATOMS, N_AA, N_HYB, EMB_ATOM)),
            jnp.broadcast_to(aa_table[None, :, None, :],
                             (N_ATOMS, N_AA, N_HYB, EMB_AA)),
            jnp.broadcast_to(hyb_table[None, None, :, :],
                             (N_ATOMS, N_AA, N_HYB, EMB_HYB)),
        ],
        axis=-1,
    ).reshape(FUSED_ROWS, EMB_DIM)
    fused_tab = jnp.pad(fused_tab, ((0, 0), (0, 128 - EMB_DIM)))
    packed = _gather_sc(
        atom_idx.astype(jnp.int32),
        aa_idx.astype(jnp.int32),
        hyb_idx.astype(jnp.int32),
        fused_tab,
    )
    out_t = _concat_call(packed.reshape(N // 8, 8, 128), cont_feat.T)
    return out_t.T

# --- scband reference (transcript-rebuilt; emitter-appended) ---
"""Pipeline reference for scband-atom-embedding-40527311405117 (READ-ONLY COPY).

The authoritative reference and input builder live on the scoring server;
editing this copy changes nothing except your own understanding.
"""

import jax, jax.numpy as jnp
import numpy as np

N_ATOMS = 44
N_AA = 22
N_HYB = 8
EMB_ATOM = 16
EMB_AA = 8
EMB_HYB = 8
N = 100000
CONT_DIM = 32


def setup_inputs(seed: int = 0) -> dict:
    key = jax.random.key(seed)
    k1, k2, k3, k4, k5, k6, k7 = jax.random.split(key, 7)
    atom_idx = jax.random.randint(k1, (N,), 0, N_ATOMS, dtype=jnp.int64 if jax.config.jax_enable_x64 else jnp.int32)
    aa_idx = jax.random.randint(k2, (N,), 0, N_AA, dtype=atom_idx.dtype)
    hyb_idx = jax.random.randint(k3, (N,), 0, N_HYB, dtype=atom_idx.dtype)
    cont_feat = jax.random.normal(k4, (N, CONT_DIM), dtype=jnp.float32)
    atom_table = jax.random.normal(k5, (N_ATOMS, EMB_ATOM), dtype=jnp.float32)
    aa_table = jax.random.normal(k6, (N_AA, EMB_AA), dtype=jnp.float32)
    hyb_table = jax.random.normal(k7, (N_HYB, EMB_HYB), dtype=jnp.float32)
    return {
        "atom_idx": atom_idx,
        "aa_idx": aa_idx,
        "hyb_idx": hyb_idx,
        "cont_feat": cont_feat,
        "atom_table": atom_table,
        "aa_table": aa_table,
        "hyb_table": hyb_table,
    }


def reference(atom_idx, aa_idx, hyb_idx, cont_feat, atom_table, aa_table, hyb_table):
    e_atom = jnp.take(atom_table, atom_idx, axis=0)
    e_aa = jnp.take(aa_table, aa_idx, axis=0)
    e_hyb = jnp.take(hyb_table, hyb_idx, axis=0)
    x = jnp.concatenate([e_atom, e_aa, e_hyb, cont_feat], axis=-1)
    return x

if __name__ == "__main__":
    import jax
    _d = setup_inputs()
    print(jax.jit(kernel)(*tuple(_d.values())))

</pallas_src>

<mosaic_0001>
#map = affine_map<(d0, d1) -> (0)>
#map1 = affine_map<(d0, d1) -> (0, 0)>
module attributes {stable_mosaic.version = 14 : i64} {
  func.func @_gather_sc(%arg0: i32, %arg1: i32, %arg2: memref<100000xi32, #tpu.memory_space<hbm>>, %arg3: memref<100000xi32, #tpu.memory_space<hbm>>, %arg4: memref<100000xi32, #tpu.memory_space<hbm>>, %arg5: memref<7744x128xf32, #tpu.memory_space<hbm>>, %arg6: memref<100000x128xf32, #tpu.memory_space<hbm>>, %arg7: memref<400xi32, #tpu.memory_space<vmem>>, %arg8: memref<400xi32, #tpu.memory_space<vmem>>, %arg9: memref<400xi32, #tpu.memory_space<vmem>>, %arg10: memref<400x128xf32, #tpu.memory_space<vmem>>, %arg11: memref<400x128xf32, #tpu.memory_space<vmem>>, %arg12: memref<!tpu.dma_semaphore, #tpu.memory_space<semaphore_mem>>, %arg13: memref<!tpu.dma_semaphore, #tpu.memory_space<semaphore_mem>>, %arg14: memref<!tpu.dma_semaphore, #tpu.memory_space<semaphore_mem>>, %arg15: memref<!tpu.dma_semaphore, #tpu.memory_space<semaphore_mem>>) attributes {dimension_semantics = [#tpu.dimension_semantics<core_parallel>, #tpu.dimension_semantics<subcore_parallel>], iteration_bounds = array<i64: 2, 16>, scalar_prefetch = 0 : i64, scratch_operands = 9 : i64, tpu.core_type = #tpu.core_type<sc_vector_subcore>, window_params = [{transform_indices = #map}, {transform_indices = #map}, {transform_indices = #map}, {transform_indices = #map1}, {transform_indices = #map1}]} {
    %mul3A = arith.constant 2 : i32
    %mul3A_0 = arith.muli %arg1, %mul3A : i32
    %add3A = arith.addi %mul3A_0, %arg0 : i32
    %add3A_1 = arith.constant 0 : i32
    %add3A_2 = arith.addi %add3A, %add3A_1 : i32
    %min3A = arith.constant 249 : i32
    %min3A_3 = arith.minsi %add3A_2, %min3A : i32
    %mul3A_4 = arith.constant 400 : i32
    %mul3A_5 = arith.muli %min3A_3, %mul3A_4 : i32
    %dma_start3A = tpu.memref_slice %arg2[%mul3A_5] : memref<100000xi32, #tpu.memory_space<hbm>> -> memref<400xi32, #tpu.memory_space<hbm>>
    %dma_start3A_6 = tpu.memref_slice %arg2[%mul3A_5] : memref<100000xi32, #tpu.memory_space<hbm>> -> memref<400xi32, #tpu.memory_space<hbm>>
    tpu.enqueue_dma source(%dma_start3A_6 : memref<400xi32, #tpu.memory_space<hbm>>) target(%arg7 : memref<400xi32, #tpu.memory_space<vmem>>) target_semaphore(%arg12 : memref<!tpu.dma_semaphore, #tpu.memory_space<semaphore_mem>>)
    %dma_start3A_7 = tpu.memref_slice %arg3[%mul3A_5] : memref<100000xi32, #tpu.memory_space<hbm>> -> memref<400xi32, #tpu.memory_space<hbm>>
    %dma_start3A_8 = tpu.memref_slice %arg3[%mul3A_5] : memref<100000xi32, #tpu.memory_space<hbm>> -> memref<400xi32, #tpu.memory_space<hbm>>
    tpu.enqueue_dma source(%dma_start3A_8 : memref<400xi32, #tpu.memory_space<hbm>>) target(%arg8 : memref<400xi32, #tpu.memory_space<vmem>>) target_semaphore(%arg12 : memref<!tpu.dma_semaphore, #tpu.memory_space<semaphore_mem>>)
    %dma_start3A_9 = tpu.memref_slice %arg4[%mul3A_5] : memref<100000xi32, #tpu.memory_space<hbm>> -> memref<400xi32, #tpu.memory_space<hbm>>
    %dma_start3A_10 = tpu.memref_slice %arg4[%mul3A_5] : memref<100000xi32, #tpu.memory_space<hbm>> -> memref<400xi32, #tpu.memory_space<hbm>>
    tpu.enqueue_dma source(%dma_start3A_10 : memref<400xi32, #tpu.memory_space<hbm>>) target(%arg9 : memref<400xi32, #tpu.memory_space<vmem>>) target_semaphore(%arg12 : memref<!tpu.dma_semaphore, #tpu.memory_space<semaphore_mem>>)
    %dma_wait3A = tpu.memref_slice %arg2[%mul3A_5] : memref<100000xi32, #tpu.memory_space<hbm>> -> memref<400xi32, #tpu.memory_space<hbm>>
    %dma_wait3A_11 = tpu.memref_slice %arg2[%mul3A_5] : memref<100000xi32, #tpu.memory_space<hbm>> -> memref<400xi32, #tpu.memory_space<hbm>>
    tpu.wait_dma2 semaphore(%arg12 : memref<!tpu.dma_semaphore, #tpu.memory_space<semaphore_mem>>) src(%dma_wait3A_11 : memref<400xi32, #tpu.memory_space<hbm>>) dst(%arg7 : memref<400xi32, #tpu.memory_space<vmem>>)
    %dma_wait3A_12 = tpu.memref_slice %arg3[%mul3A_5] : memref<100000xi32, #tpu.memory_space<hbm>> -> memref<400xi32, #tpu.memory_space<hbm>>
    %dma_wait3A_13 = tpu.memref_slice %arg3[%mul3A_5] : memref<100000xi32, #tpu.memory_space<hbm>> -> memref<400xi32, #tpu.memory_space<hbm>>
    tpu.wait_dma2 semaphore(%arg12 : memref<!tpu.dma_semaphore, #tpu.memory_space<semaphore_mem>>) src(%dma_wait3A_13 : memref<400xi32, #tpu.memory_space<hbm>>) dst(%arg8 : memref<400xi32, #tpu.memory_space<vmem>>)
    %dma_wait3A_14 = tpu.memref_slice %arg4[%mul3A_5] : memref<100000xi32, #tpu.memory_space<hbm>> -> memref<400xi32, #tpu.memory_space<hbm>>
    %dma_wait3A_15 = tpu.memref_slice %arg4[%mul3A_5] : memref<100000xi32, #tpu.memory_space<hbm>> -> memref<400xi32, #tpu.memory_space<hbm>>
    tpu.wait_dma2 semaphore(%arg12 : memref<!tpu.dma_semaphore, #tpu.memory_space<semaphore_mem>>) src(%dma_wait3A_15 : memref<400xi32, #tpu.memory_space<hbm>>) dst(%arg9 : memref<400xi32, #tpu.memory_space<vmem>>)
    %scan3A = arith.constant 0 : i32
    %scan3A_16 = arith.constant 0 : i32
    %scan3A_17 = arith.constant 25 : i32
    %scan3A_18 = arith.addi %scan3A_16, %scan3A_17 : i32
    %scan3A_19 = arith.constant 1 : i32
    %scan3A_20 = scf.for %scan3A_309 = %scan3A_16 to %scan3A_18 step %scan3A_19 iter_args(%scan3A_310 = %scan3A) -> (i32)  : i32 {
      %mul3A_311 = arith.constant 16 : i32
      %mul3A_312 = arith.muli %scan3A_309, %mul3A_311 : i32
      %get3A = arith.index_cast %mul3A_312 : i32 to index
      %get3A_313 = tpu.vector_load %arg7[%get3A] {strides = array<i32>} : memref<400xi32, #tpu.memory_space<vmem>>, vector<16xi32>,
      %get3A_314 = vector.shape_cast %get3A_313 : vector<16xi32> to vector<16xi32>
      %mul3A_315 = arith.constant 176 : i32
      %mul3A_316 = vector.broadcast %mul3A_315 : i32 to vector<16xi32>
      %mul3A_317 = arith.muli %get3A_314, %mul3A_316 : vector<16xi32>
      %get3A_318 = arith.index_cast %mul3A_312 : i32 to index
      %get3A_319 = tpu.vector_load %arg8[%get3A_318] {strides = array<i32>} : memref<400xi32, #tpu.memory_space<vmem>>, vector<16xi32>,
      %get3A_320 = vector.shape_cast %get3A_319 : vector<16xi32> to vector<16xi32>
      %mul3A_321 = arith.constant 8 : i32
      %mul3A_322 = vector.broadcast %mul3A_321 : i32 to vector<16xi32>
      %mul3A_323 = arith.muli %get3A_320, %mul3A_322 : vector<16xi32>
      %add3A_324 = arith.addi %mul3A_317, %mul3A_323 : vector<16xi32>
      %get3A_325 = arith.index_cast %mul3A_312 : i32 to index
      %get3A_326 = tpu.vector_load %arg9[%get3A_325] {strides = array<i32>} : memref<400xi32, #tpu.memory_space<vmem>>, vector<16xi32>,
      %get3A_327 = vector.shape_cast %get3A_326 : vector<16xi32> to vector<16xi32>
      %add3A_328 = arith.addi %add3A_324, %get3A_327 : vector<16xi32>
      %swap3A = arith.index_cast %mul3A_312 : i32 to index
      %swap3A_329 = tpu.vector_load %arg7[%swap3A] {strides = array<i32>} : memref<400xi32, #tpu.memory_space<vmem>>, vector<16xi32>,
      %swap3A_330 = vector.shape_cast %swap3A_329 : vector<16xi32> to vector<16xi32>
      %swap3A_331 = vector.shape_cast %add3A_328 : vector<16xi32> to vector<16xi32>
      tpu.vector_store %arg7[%swap3A], %swap3A_331 {strides = array<i32>} : memref<400xi32, #tpu.memory_space<vmem>>, vector<16xi32>,
      %scan3A_332 = arith.constant 0 : i32
      scf.yield %scan3A_332 : i32
    }
    %scan3A_21 = arith.constant 25 : i32
    %dma_start3A_22 = arith.constant 0 : i32
    %dma_start3A_23 = arith.constant 0 : i32
    %dma_start3A_24 = tpu.memref_slice %arg5[%dma_start3A_22, %dma_start3A_23] : memref<7744x128xf32, #tpu.memory_space<hbm>> -> memref<7744x128xf32, #tpu.memory_space<hbm>>
    tpu.enqueue_indirect_dma source(%dma_start3A_24 : memref<7744x128xf32, #tpu.memory_space<hbm>>) target(%arg10 : memref<400x128xf32, #tpu.memory_space<vmem>>) offsets(%arg7 : memref<400xi32, #tpu.memory_space<vmem>>) semaphore(%arg13 : memref<!tpu.dma_semaphore, #tpu.memory_space<semaphore_mem>>)
    %dma_wait3A_25 = arith.constant 0 : i32
    %dma_wait3A_26 = arith.constant 0 : i32
    %dma_wait3A_27 = tpu.memref_slice %arg5[%dma_wait3A_25, %dma_wait3A_26] : memref<7744x128xf32, #tpu.memory_space<hbm>> -> memref<7744x128xf32, #tpu.memory_space<hbm>>
    tpu.wait_indirect_dma semaphore(%arg13 : memref<!tpu.dma_semaphore, #tpu.memory_space<semaphore_mem>>) src(%dma_wait3A_27 : memref<7744x128xf32, #tpu.memory_space<hbm>>) dst(%arg10 : memref<400x128xf32, #tpu.memory_space<vmem>>)
    %dma_start3A_28 = arith.constant 0 : i32
    %dma_start3A_29 = tpu.memref_slice %arg6[%mul3A_5, %dma_start3A_28] : memref<100000x128xf32, #tpu.memory_space<hbm>> -> memref<400x128xf32, #tpu.memory_space<hbm>>
    %dma_start3A_30 = arith.constant 0 : i32
    %dma_start3A_31 = tpu.memref_slice %arg6[%mul3A_5, %dma_start3A_30] : memref<100000x128xf32, #tpu.memory_space<hbm>> -> memref<400x128xf32, #tpu.memory_space<hbm>>
    tpu.enqueue_dma source(%arg10 : memref<400x128xf32, #tpu.memory_space<vmem>>) target(%dma_start3A_31 : memref<400x128xf32, #tpu.memory_space<hbm>>) target_semaphore(%arg14 : memref<!tpu.dma_semaphore, #tpu.memory_space<semaphore_mem>>)
    %add3A_32 = arith.constant 32 : i32
    %add3A_33 = arith.addi %add3A, %add3A_32 : i32
    %min3A_34 = arith.constant 249 : i32
    %min3A_35 = arith.minsi %add3A_33, %min3A_34 : i32
    %mul3A_36 = arith.constant 400 : i32
    %mul3A_37 = arith.muli %min3A_35, %mul3A_36 : i32
    %dma_start3A_38 = tpu.memref_slice %arg2[%mul3A_37] : memref<100000xi32, #tpu.memory_space<hbm>> -> memref<400xi32, #tpu.memory_space<hbm>>
    %dma_start3A_39 = tpu.memref_slice %arg2[%mul3A_37] : memref<100000xi32, #tpu.memory_space<hbm>> -> memref<400xi32, #tpu.memory_space<hbm>>
    tpu.enqueue_dma source(%dma_start3A_39 : memref<400xi32, #tpu.memory_space<hbm>>) target(%arg7 : memref<400xi32, #tpu.memory_space<vmem>>) target_semaphore(%arg12 : memref<!tpu.dma_semaphore, #tpu.memory_space<semaphore_mem>>)
    %dma_start3A_40 = tpu.memref_slice %arg3[%mul3A_37] : memref<100000xi32, #tpu.memory_space<hbm>> -> memref<400xi32, #tpu.memory_space<hbm>>
    %dma_start3A_41 = tpu.memref_slice %arg3[%mul3A_37] : memref<100000xi32, #tpu.memory_space<hbm>> -> memref<400xi32, #tpu.memory_space<hbm>>
    tpu.enqueue_dma source(%dma_start3A_41 : memref<400xi32, #tpu.memory_space<hbm>>) target(%arg8 : memref<400xi32, #tpu.memory_space<vmem>>) target_semaphore(%arg12 : memref<!tpu.dma_semaphore, #tpu.memory_space<semaphore_mem>>)
    %dma_start3A_42 = tpu.memref_slice %arg4[%mul3A_37] : memref<100000xi32, #tpu.memory_space<hbm>> -> memref<400xi32, #tpu.memory_space<hbm>>
    %dma_start3A_43 = tpu.memref_slice %arg4[%mul3A_37] : memref<100000xi32, #tpu.memory_space<hbm>> -> memref<400xi32, #tpu.memory_space<hbm>>
    tpu.enqueue_dma source(%dma_start3A_43 : memref<400xi32, #tpu.memory_space<hbm>>) target(%arg9 : memref<400xi32, #tpu.memory_space<vmem>>) target_semaphore(%arg12 : memref<!tpu.dma_semaphore, #tpu.memory_space<semaphore_mem>>)
    %dma_wait3A_44 = tpu.memref_slice %arg2[%mul3A_37] : memref<100000xi32, #tpu.memory_space<hbm>> -> memref<400xi32, #tpu.memory_space<hbm>>
    %dma_wait3A_45 = tpu.memref_slice %arg2[%mul3A_37] : memref<100000xi32, #tpu.memory_space<hbm>> -> memref<400xi32, #tpu.memory_space<hbm>>
    tpu.wait_dma2 semaphore(%arg12 : memref<!tpu.dma_semaphore, #tpu.memory_space<semaphore_mem>>) src(%dma_wait3A_45 : memref<400xi32, #tpu.memory_space<hbm>>) dst(%arg7 : memref<400xi32, #tpu.memory_space<vmem>>)
    %dma_wait3A_46 = tpu.memref_slice %arg3[%mul3A_37] : memref<100000xi32, #tpu.memory_space<hbm>> -> memref<400xi32, #tpu.memory_space<hbm>>
    %dma_wait3A_47 = tpu.memref_slice %arg3[%mul3A_37] : memref<100000xi32, #tpu.memory_space<hbm>> -> memref<400xi32, #tpu.memory_space<hbm>>
    tpu.wait_dma2 semaphore(%arg12 : memref<!tpu.dma_semaphore, #tpu.memory_space<semaphore_mem>>) src(%dma_wait3A_47 : memref<400xi32, #tpu.memory_space<hbm>>) dst(%arg8 : memref<400xi32, #tpu.memory_space<vmem>>)
    %dma_wait3A_48 = tpu.memref_slice %arg4[%mul3A_37] : memref<100000xi32, #tpu.memory_space<hbm>> -> memref<400xi32, #tpu.memory_space<hbm>>
    %dma_wait3A_49 = tpu.memref_slice %arg4[%mul3A_37] : memref<100000xi32, #tpu.memory_space<hbm>> -> memref<400xi32, #tpu.memory_space<hbm>>
    tpu.wait_dma2 semaphore(%arg12 : memref<!tpu.dma_semaphore, #tpu.memory_space<semaphore_mem>>) src(%dma_wait3A_49 : memref<400xi32, #tpu.memory_space<hbm>>) dst(%arg9 : memref<400xi32, #tpu.memory_space<vmem>>)
    %scan3A_50 = arith.constant 0 : i32
    %scan3A_51 = arith.constant 0 : i32
    %scan3A_52 = arith.constant 25 : i32
    %scan3A_53 = arith.addi %scan3A_51, %scan3A_52 : i32
    %scan3A_54 = arith.constant 1 : i32
    %scan3A_55 = scf.for %scan3A_309 = %scan3A_51 to %scan3A_53 step %scan3A_54 iter_args(%scan3A_310 = %scan3A_50) -> (i32)  : i32 {
      %mul3A_311 = arith.constant 16 : i32
      %mul3A_312 = arith.muli %scan3A_309, %mul3A_311 : i32
      %get3A = arith.index_cast %mul3A_312 : i32 to index
      %get3A_313 = tpu.vector_load %arg7[%get3A] {strides = array<i32>} : memref<400xi32, #tpu.memory_space<vmem>>, vector<16xi32>,
      %get3A_314 = vector.shape_cast %get3A_313 : vector<16xi32> to vector<16xi32>
      %mul3A_315 = arith.constant 176 : i32
      %mul3A_316 = vector.broadcast %mul3A_315 : i32 to vector<16xi32>
      %mul3A_317 = arith.muli %get3A_314, %mul3A_316 : vector<16xi32>
      %get3A_318 = arith.index_cast %mul3A_312 : i32 to index
      %get3A_319 = tpu.vector_load %arg8[%get3A_318] {strides = array<i32>} : memref<400xi32, #tpu.memory_space<vmem>>, vector<16xi32>,
      %get3A_320 = vector.shape_cast %get3A_319 : vector<16xi32> to vector<16xi32>
      %mul3A_321 = arith.constant 8 : i32
      %mul3A_322 = vector.broadcast %mul3A_321 : i32 to vector<16xi32>
      %mul3A_323 = arith.muli %get3A_320, %mul3A_322 : vector<16xi32>
      %add3A_324 = arith.addi %mul3A_317, %mul3A_323 : vector<16xi32>
      %get3A_325 = arith.index_cast %mul3A_312 : i32 to index
      %get3A_326 = tpu.vector_load %arg9[%get3A_325] {strides = array<i32>} : memref<400xi32, #tpu.memory_space<vmem>>, vector<16xi32>,
      %get3A_327 = vector.shape_cast %get3A_326 : vector<16xi32> to vector<16xi32>
      %add3A_328 = arith.addi %add3A_324, %get3A_327 : vector<16xi32>
      %swap3A = arith.index_cast %mul3A_312 : i32 to index
      %swap3A_329 = tpu.vector_load %arg7[%swap3A] {strides = array<i32>} : memref<400xi32, #tpu.memory_space<vmem>>, vector<16xi32>,
      %swap3A_330 = vector.shape_cast %swap3A_329 : vector<16xi32> to vector<16xi32>
      %swap3A_331 = vector.shape_cast %add3A_328 : vector<16xi32> to vector<16xi32>
      tpu.vector_store %arg7[%swap3A], %swap3A_331 {strides = array<i32>} : memref<400xi32, #tpu.memory_space<vmem>>, vector<16xi32>,
      %scan3A_332 = arith.constant 0 : i32
      scf.yield %scan3A_332 : i32
    }
    %scan3A_56 = arith.constant 25 : i32
    %dma_start3A_57 = arith.constant 0 : i32
    %dma_start3A_58 = arith.constant 0 : i32
    %dma_start3A_59 = tpu.memref_slice %arg5[%dma_start3A_57, %dma_start3A_58] : memref<7744x128xf32, #tpu.memory_space<hbm>> -> memref<7744x128xf32, #tpu.memory_space<hbm>>
    tpu.enqueue_indirect_dma source(%dma_start3A_59 : memref<7744x128xf32, #tpu.memory_space<hbm>>) target(%arg11 : memref<400x128xf32, #tpu.memory_space<vmem>>) offsets(%arg7 : memref<400xi32, #tpu.memory_space<vmem>>) semaphore(%arg13 : memref<!tpu.dma_semaphore, #tpu.memory_space<semaphore_mem>>)
    %dma_wait3A_60 = arith.constant 0 : i32
    %dma_wait3A_61 = arith.constant 0 : i32
    %dma_wait3A_62 = tpu.memref_slice %arg5[%dma_wait3A_60, %dma_wait3A_61] : memref<7744x128xf32, #tpu.memory_space<hbm>> -> memref<7744x128xf32, #tpu.memory_space<hbm>>
    tpu.wait_indirect_dma semaphore(%arg13 : memref<!tpu.dma_semaphore, #tpu.memory_space<semaphore_mem>>) src(%dma_wait3A_62 : memref<7744x128xf32, #tpu.memory_space<hbm>>) dst(%arg11 : memref<400x128xf32, #tpu.memory_space<vmem>>)
    %dma_start3A_63 = arith.constant 0 : i32
    %dma_start3A_64 = tpu.memref_slice %arg6[%mul3A_37, %dma_start3A_63] : memref<100000x128xf32, #tpu.memory_space<hbm>> -> memref<400x128xf32, #tpu.memory_space<hbm>>
    %dma_start3A_65 = arith.constant 0 : i32
    %dma_start3A_66 = tpu.memref_slice %arg6[%mul3A_37, %dma_start3A_65] : memref<100000x128xf32, #tpu.memory_space<hbm>> -> memref<400x128xf32, #tpu.memory_space<hbm>>
    tpu.enqueue_dma source(%arg11 : memref<400x128xf32, #tpu.memory_space<vmem>>) target(%dma_start3A_66 : memref<400x128xf32, #tpu.memory_space<hbm>>) target_semaphore(%arg15 : memref<!tpu.dma_semaphore, #tpu.memory_space<semaphore_mem>>)
    %dma_wait3A_67 = arith.constant 0 : i32
    %dma_wait3A_68 = tpu.memref_slice %arg6[%mul3A_5, %dma_wait3A_67] : memref<100000x128xf32, #tpu.memory_space<hbm>> -> memref<400x128xf32, #tpu.memory_space<hbm>>
    %dma_wait3A_69 = arith.constant 0 : i32
    %dma_wait3A_70 = tpu.memref_slice %arg6[%mul3A_5, %dma_wait3A_69] : memref<100000x128xf32, #tpu.memory_space<hbm>> -> memref<400x128xf32, #tpu.memory_space<hbm>>
    tpu.wait_dma2 semaphore(%arg14 : memref<!tpu.dma_semaphore, #tpu.memory_space<semaphore_mem>>) src(%arg10 : memref<400x128xf32, #tpu.memory_space<vmem>>) dst(%dma_wait3A_70 : memref<400x128xf32, #tpu.memory_space<hbm>>)
    %add3A_71 = arith.constant 64 : i32
    %add3A_72 = arith.addi %add3A, %add3A_71 : i32
    %min3A_73 = arith.constant 249 : i32
    %min3A_74 = arith.minsi %add3A_72, %min3A_73 : i32
    %mul3A_75 = arith.constant 400 : i32
    %mul3A_76 = arith.muli %min3A_74, %mul3A_75 : i32
    %dma_start3A_77 = tpu.memref_slice %arg2[%mul3A_76] : memref<100000xi32, #tpu.memory_space<hbm>> -> memref<400xi32, #tpu.memory_space<hbm>>
    %dma_start3A_78 = tpu.memref_slice %arg2[%mul3A_76] : memref<100000xi32, #tpu.memory_space<hbm>> -> memref<400xi32, #tpu.memory_space<hbm>>
    tpu.enqueue_dma source(%dma_start3A_78 : memref<400xi32, #tpu.memory_space<hbm>>) target(%arg7 : memref<400xi32, #tpu.memory_space<vmem>>) target_semaphore(%arg12 : memref<!tpu.dma_semaphore, #tpu.memory_space<semaphore_mem>>)
    %dma_start3A_79 = tpu.memref_slice %arg3[%mul3A_76] : memref<100000xi32, #tpu.memory_space<hbm>> -> memref<400xi32, #tpu.memory_space<hbm>>
    %dma_start3A_80 = tpu.memref_slice %arg3[%mul3A_76] : memref<100000xi32, #tpu.memory_space<hbm>> -> memref<400xi32, #tpu.memory_space<hbm>>
    tpu.enqueue_dma source(%dma_start3A_80 : memref<400xi32, #tpu.memory_space<hbm>>) target(%arg8 : memref<400xi32, #tpu.memory_space<vmem>>) target_semaphore(%arg12 : memref<!tpu.dma_semaphore, #tpu.memory_space<semaphore_mem>>)
    %dma_start3A_81 = tpu.memref_slice %arg4[%mul3A_76] : memref<100000xi32, #tpu.memory_space<hbm>> -> memref<400xi32, #tpu.memory_space<hbm>>
    %dma_start3A_82 = tpu.memref_slice %arg4[%mul3A_76] : memref<100000xi32, #tpu.memory_space<hbm>> -> memref<400xi32, #tpu.memory_space<hbm>>
    tpu.enqueue_dma source(%dma_start3A_82 : memref<400xi32, #tpu.memory_space<hbm>>) target(%arg9 : memref<400xi32, #tpu.memory_space<vmem>>) target_semaphore(%arg12 : memref<!tpu.dma_semaphore, #tpu.memory_space<semaphore_mem>>)
    %dma_wait3A_83 = tpu.memref_slice %arg2[%mul3A_76] : memref<100000xi32, #tpu.memory_space<hbm>> -> memref<400xi32, #tpu.memory_space<hbm>>
    %dma_wait3A_84 = tpu.memref_slice %arg2[%mul3A_76] : memref<100000xi32, #tpu.memory_space<hbm>> -> memref<400xi32, #tpu.memory_space<hbm>>
    tpu.wait_dma2 semaphore(%arg12 : memref<!tpu.dma_semaphore, #tpu.memory_space<semaphore_mem>>) src(%dma_wait3A_84 : memref<400xi32, #tpu.memory_space<hbm>>) dst(%arg7 : memref<400xi32, #tpu.memory_space<vmem>>)
    %dma_wait3A_85 = tpu.memref_slice %arg3[%mul3A_76] : memref<100000xi32, #tpu.memory_space<hbm>> -> memref<400xi32, #tpu.memory_space<hbm>>
    %dma_wait3A_86 = tpu.memref_slice %arg3[%mul3A_76] : memref<100000xi32, #tpu.memory_space<hbm>> -> memref<400xi32, #tpu.memory_space<hbm>>
    tpu.wait_dma2 semaphore(%arg12 : memref<!tpu.dma_semaphore, #tpu.memory_space<semaphore_mem>>) src(%dma_wait3A_86 : memref<400xi32, #tpu.memory_space<hbm>>) dst(%arg8 : memref<400xi32, #tpu.memory_space<vmem>>)
    %dma_wait3A_87 = tpu.memref_slice %arg4[%mul3A_76] : memref<100000xi32, #tpu.memory_space<hbm>> -> memref<400xi32, #tpu.memory_space<hbm>>
    %dma_wait3A_88 = tpu.memref_slice %arg4[%mul3A_76] : memref<100000xi32, #tpu.memory_space<hbm>> -> memref<400xi32, #tpu.memory_space<hbm>>
    tpu.wait_dma2 semaphore(%arg12 : memref<!tpu.dma_semaphore, #tpu.memory_space<semaphore_mem>>) src(%dma_wait3A_88 : memref<400xi32, #tpu.memory_space<hbm>>) dst(%arg9 : memref<400xi32, #tpu.memory_space<vmem>>)
    %scan3A_89 = arith.constant 0 : i32
    %scan3A_90 = arith.constant 0 : i32
    %scan3A_91 = arith.constant 25 : i32
    %scan3A_92 = arith.addi %scan3A_90, %scan3A_91 : i32
    %scan3A_93 = arith.constant 1 : i32
    %scan3A_94 = scf.for %scan3A_309 = %scan3A_90 to %scan3A_92 step %scan3A_93 iter_args(%scan3A_310 = %scan3A_89) -> (i32)  : i32 {
      %mul3A_311 = arith.constant 16 : i32
      %mul3A_312 = arith.muli %scan3A_309, %mul3A_311 : i32
      %get3A = arith.index_cast %mul3A_312 : i32 to index
      %get3A_313 = tpu.vector_load %arg7[%get3A] {strides = array<i32>} : memref<400xi32, #tpu.memory_space<vmem>>, vector<16xi32>,
      %get3A_314 = vector.shape_cast %get3A_313 : vector<16xi32> to vector<16xi32>
      %mul3A_315 = arith.constant 176 : i32
      %mul3A_316 = vector.broadcast %mul3A_315 : i32 to vector<16xi32>
      %mul3A_317 = arith.muli %get3A_314, %mul3A_316 : vector<16xi32>
      %get3A_318 = arith.index_cast %mul3A_312 : i32 to index
      %get3A_319 = tpu.vector_load %arg8[%get3A_318] {strides = array<i32>} : memref<400xi32, #tpu.memory_space<vmem>>, vector<16xi32>,
      %get3A_320 = vector.shape_cast %get3A_319 : vector<16xi32> to vector<16xi32>
      %mul3A_321 = arith.constant 8 : i32
      %mul3A_322 = vector.broadcast %mul3A_321 : i32 to vector<16xi32>
      %mul3A_323 = arith.muli %get3A_320, %mul3A_322 : vector<16xi32>
      %add3A_324 = arith.addi %mul3A_317, %mul3A_323 : vector<16xi32>
      %get3A_325 = arith.index_cast %mul3A_312 : i32 to index
      %get3A_326 = tpu.vector_load %arg9[%get3A_325] {strides = array<i32>} : memref<400xi32, #tpu.memory_space<vmem>>, vector<16xi32>,
      %get3A_327 = vector.shape_cast %get3A_326 : vector<16xi32> to vector<16xi32>
      %add3A_328 = arith.addi %add3A_324, %get3A_327 : vector<16xi32>
      %swap3A = arith.index_cast %mul3A_312 : i32 to index
      %swap3A_329 = tpu.vector_load %arg7[%swap3A] {strides = array<i32>} : memref<400xi32, #tpu.memory_space<vmem>>, vector<16xi32>,
      %swap3A_330 = vector.shape_cast %swap3A_329 : vector<16xi32> to vector<16xi32>
      %swap3A_331 = vector.shape_cast %add3A_328 : vector<16xi32> to vector<16xi32>
      tpu.vector_store %arg7[%swap3A], %swap3A_331 {strides = array<i32>} : memref<400xi32, #tpu.memory_space<vmem>>, vector<16xi32>,
      %scan3A_332 = arith.constant 0 : i32
      scf.yield %scan3A_332 : i32
    }
    %scan3A_95 = arith.constant 25 : i32
    %dma_start3A_96 = arith.constant 0 : i32
    %dma_start3A_97 = arith.constant 0 : i32
    %dma_start3A_98 = tpu.memref_slice %arg5[%dma_start3A_96, %dma_start3A_97] : memref<7744x128xf32, #tpu.memory_space<hbm>> -> memref<7744x128xf32, #tpu.memory_space<hbm>>
    tpu.enqueue_indirect_dma source(%dma_start3A_98 : memref<7744x128xf32, #tpu.memory_space<hbm>>) target(%arg10 : memref<400x128xf32, #tpu.memory_space<vmem>>) offsets(%arg7 : memref<400xi32, #tpu.memory_space<vmem>>) semaphore(%arg13 : memref<!tpu.dma_semaphore, #tpu.memory_space<semaphore_mem>>)
    %dma_wait3A_99 = arith.constant 0 : i32
    %dma_wait3A_100 = arith.constant 0 : i32
    %dma_wait3A_101 = tpu.memref_slice %arg5[%dma_wait3A_99, %dma_wait3A_100] : memref<7744x128xf32, #tpu.memory_space<hbm>> -> memref<7744x128xf32, #tpu.memory_space<hbm>>
    tpu.wait_indirect_dma semaphore(%arg13 : memref<!tpu.dma_semaphore, #tpu.memory_space<semaphore_mem>>) src(%dma_wait3A_101 : memref<7744x128xf32, #tpu.memory_space<hbm>>) dst(%arg10 : memref<400x128xf32, #tpu.memory_space<vmem>>)
    %dma_start3A_102 = arith.constant 0 : i32
    %dma_start3A_103 = tpu.memref_slice %arg6[%mul3A_76, %dma_start3A_102] : memref<100000x128xf32, #tpu.memory_space<hbm>> -> memref<400x128xf32, #tpu.memory_space<hbm>>
    %dma_start3A_104 = arith.constant 0 : i32
    %dma_start3A_105 = tpu.memref_slice %arg6[%mul3A_76, %dma_start3A_104] : memref<100000x128xf32, #tpu.memory_space<hbm>> -> memref<400x128xf32, #tpu.memory_space<hbm>>
    tpu.enqueue_dma source(%arg10 : memref<400x128xf32, #tpu.memory_space<vmem>>) target(%dma_start3A_105 : memref<400x128xf32, #tpu.memory_space<hbm>>) target_semaphore(%arg14 : memref<!tpu.dma_semaphore, #tpu.memory_space<semaphore_mem>>)
    %dma_wait3A_106 = arith.constant 0 : i32
    %dma_wait3A_107 = tpu.memref_slice %arg6[%mul3A_37, %dma_wait3A_106] : memref<100000x128xf32, #tpu.memory_space<hbm>> -> memref<400x128xf32, #tpu.memory_space<hbm>>
    %dma_wait3A_108 = arith.constant 0 : i32
    %dma_wait3A_109 = tpu.memref_slice %arg6[%mul3A_37, %dma_wait3A_108] : memref<100000x128xf32, #tpu.memory_space<hbm>> -> memref<400x128xf32, #tpu.memory_space<hbm>>
    tpu.wait_dma2 semaphore(%arg15 : memref<!tpu.dma_semaphore, #tpu.memory_space<semaphore_mem>>) src(%arg11 : memref<400x128xf32, #tpu.memory_space<vmem>>) dst(%dma_wait3A_109 : memref<400x128xf32, #tpu.memory_space<hbm>>)
    %add3A_110 = arith.constant 96 : i32
    %add3A_111 = arith.addi %add3A, %add3A_110 : i32
    %min3A_112 = arith.constant 249 : i32
    %min3A_113 = arith.minsi %add3A_111, %min3A_112 : i32
    %mul3A_114 = arith.constant 400 : i32
    %mul3A_115 = arith.muli %min3A_113, %mul3A_114 : i32
    %dma_start3A_116 = tpu.memref_slice %arg2[%mul3A_115] : memref<100000xi32, #tpu.memory_space<hbm>> -> memref<400xi32, #tpu.memory_space<hbm>>
    %dma_start3A_117 = tpu.memref_slice %arg2[%mul3A_115] : memref<100000xi32, #tpu.memory_space<hbm>> -> memref<400xi32, #tpu.memory_space<hbm>>
    tpu.enqueue_dma source(%dma_start3A_117 : memref<400xi32, #tpu.memory_space<hbm>>) target(%arg7 : memref<400xi32, #tpu.memory_space<vmem>>) target_semaphore(%arg12 : memref<!tpu.dma_semaphore, #tpu.memory_space<semaphore_mem>>)
    %dma_start3A_118 = tpu.memref_slice %arg3[%mul3A_115] : memref<100000xi32, #tpu.memory_space<hbm>> -> memref<400xi32, #tpu.memory_space<hbm>>
    %dma_start3A_119 = tpu.memref_slice %arg3[%mul3A_115] : memref<100000xi32, #tpu.memory_space<hbm>> -> memref<400xi32, #tpu.memory_space<hbm>>
    tpu.enqueue_dma source(%dma_start3A_119 : memref<400xi32, #tpu.memory_space<hbm>>) target(%arg8 : memref<400xi32, #tpu.memory_space<vmem>>) target_semaphore(%arg12 : memref<!tpu.dma_semaphore, #tpu.memory_space<semaphore_mem>>)
    %dma_start3A_120 = tpu.memref_slice %arg4[%mul3A_115] : memref<100000xi32, #tpu.memory_space<hbm>> -> memref<400xi32, #tpu.memory_space<hbm>>
    %dma_start3A_121 = tpu.memref_slice %arg4[%mul3A_115] : memref<100000xi32, #tpu.memory_space<hbm>> -> memref<400xi32, #tpu.memory_space<hbm>>
    tpu.enqueue_dma source(%dma_start3A_121 : memref<400xi32, #tpu.memory_space<hbm>>) target(%arg9 : memref<400xi32, #tpu.memory_space<vmem>>) target_semaphore(%arg12 : memref<!tpu.dma_semaphore, #tpu.memory_space<semaphore_mem>>)
    %dma_wait3A_122 = tpu.memref_slice %arg2[%mul3A_115] : memref<100000xi32, #tpu.memory_space<hbm>> -> memref<400xi32, #tpu.memory_space<hbm>>
    %dma_wait3A_123 = tpu.memref_slice %arg2[%mul3A_115] : memref<100000xi32, #tpu.memory_space<hbm>> -> memref<400xi32, #tpu.memory_space<hbm>>
    tpu.wait_dma2 semaphore(%arg12 : memref<!tpu.dma_semaphore, #tpu.memory_space<semaphore_mem>>) src(%dma_wait3A_123 : memref<400xi32, #tpu.memory_space<hbm>>) dst(%arg7 : memref<400xi32, #tpu.memory_space<vmem>>)
    %dma_wait3A_124 = tpu.memref_slice %arg3[%mul3A_115] : memref<100000xi32, #tpu.memory_space<hbm>> -> memref<400xi32, #tpu.memory_space<hbm>>
    %dma_wait3A_125 = tpu.memref_slice %arg3[%mul3A_115] : memref<100000xi32, #tpu.memory_space<hbm>> -> memref<400xi32, #tpu.memory_space<hbm>>
    tpu.wait_dma2 semaphore(%arg12 : memref<!tpu.dma_semaphore, #tpu.memory_space<semaphore_mem>>) src(%dma_wait3A_125 : memref<400xi32, #tpu.memory_space<hbm>>) dst(%arg8 : memref<400xi32, #tpu.memory_space<vmem>>)
    %dma_wait3A_126 = tpu.memref_slice %arg4[%mul3A_115] : memref<100000xi32, #tpu.memory_space<hbm>> -> memref<400xi32, #tpu.memory_space<hbm>>
    %dma_wait3A_127 = tpu.memref_slice %arg4[%mul3A_115] : memref<100000xi32, #tpu.memory_space<hbm>> -> memref<400xi32, #tpu.memory_space<hbm>>
    tpu.wait_dma2 semaphore(%arg12 : memref<!tpu.dma_semaphore, #tpu.memory_space<semaphore_mem>>) src(%dma_wait3A_127 : memref<400xi32, #tpu.memory_space<hbm>>) dst(%arg9 : memref<400xi32, #tpu.memory_space<vmem>>)
    %scan3A_128 = arith.constant 0 : i32
    %scan3A_129 = arith.constant 0 : i32
    %scan3A_130 = arith.constant 25 : i32
    %scan3A_131 = arith.addi %scan3A_129, %scan3A_130 : i32
    %scan3A_132 = arith.constant 1 : i32
    %scan3A_133 = scf.for %scan3A_309 = %scan3A_129 to %scan3A_131 step %scan3A_132 iter_args(%scan3A_310 = %scan3A_128) -> (i32)  : i32 {
      %mul3A_311 = arith.constant 16 : i32
      %mul3A_312 = arith.muli %scan3A_309, %mul3A_311 : i32
      %get3A = arith.index_cast %mul3A_312 : i32 to index
      %get3A_313 = tpu.vector_load %arg7[%get3A] {strides = array<i32>} : memref<400xi32, #tpu.memory_space<vmem>>, vector<16xi32>,
      %get3A_314 = vector.shape_cast %get3A_313 : vector<16xi32> to vector<16xi32>
      %mul3A_315 = arith.constant 176 : i32
      %mul3A_316 = vector.broadcast %mul3A_315 : i32 to vector<16xi32>
      %mul3A_317 = arith.muli %get3A_314, %mul3A_316 : vector<16xi32>
      %get3A_318 = arith.index_cast %mul3A_312 : i32 to index
      %get3A_319 = tpu.vector_load %arg8[%get3A_318] {strides = array<i32>} : memref<400xi32, #tpu.memory_space<vmem>>, vector<16xi32>,
      %get3A_320 = vector.shape_cast %get3A_319 : vector<16xi32> to vector<16xi32>
      %mul3A_321 = arith.constant 8 : i32
      %mul3A_322 = vector.broadcast %mul3A_321 : i32 to vector<16xi32>
      %mul3A_323 = arith.muli %get3A_320, %mul3A_322 : vector<16xi32>
      %add3A_324 = arith.addi %mul3A_317, %mul3A_323 : vector<16xi32>
      %get3A_325 = arith.index_cast %mul3A_312 : i32 to index
      %get3A_326 = tpu.vector_load %arg9[%get3A_325] {strides = array<i32>} : memref<400xi32, #tpu.memory_space<vmem>>, vector<16xi32>,
      %get3A_327 = vector.shape_cast %get3A_326 : vector<16xi32> to vector<16xi32>
      %add3A_328 = arith.addi %add3A_324, %get3A_327 : vector<16xi32>
      %swap3A = arith.index_cast %mul3A_312 : i32 to index
      %swap3A_329 = tpu.vector_load %arg7[%swap3A] {strides = array<i32>} : memref<400xi32, #tpu.memory_space<vmem>>, vector<16xi32>,
      %swap3A_330 = vector.shape_cast %swap3A_329 : vector<16xi32> to vector<16xi32>
      %swap3A_331 = vector.shape_cast %add3A_328 : vector<16xi32> to vector<16xi32>
      tpu.vector_store %arg7[%swap3A], %swap3A_331 {strides = array<i32>} : memref<400xi32, #tpu.memory_space<vmem>>, vector<16xi32>,
      %scan3A_332 = arith.constant 0 : i32
      scf.yield %scan3A_332 : i32
    }
    %scan3A_134 = arith.constant 25 : i32
    %dma_start3A_135 = arith.constant 0 : i32
    %dma_start3A_136 = arith.constant 0 : i32
    %dma_start3A_137 = tpu.memref_slice %arg5[%dma_start3A_135, %dma_start3A_136] : memref<7744x128xf32, #tpu.memory_space<hbm>> -> memref<7744x128xf32, #tpu.memory_space<hbm>>
    tpu.enqueue_indirect_dma source(%dma_start3A_137 : memref<7744x128xf32, #tpu.memory_space<hbm>>) target(%arg11 : memref<400x128xf32, #tpu.memory_space<vmem>>) offsets(%arg7 : memref<400xi32, #tpu.memory_space<vmem>>) semaphore(%arg13 : memref<!tpu.dma_semaphore, #tpu.memory_space<semaphore_mem>>)
    %dma_wait3A_138 = arith.constant 0 : i32
    %dma_wait3A_139 = arith.constant 0 : i32
    %dma_wait3A_140 = tpu.memref_slice %arg5[%dma_wait3A_138, %dma_wait3A_139] : memref<7744x128xf32, #tpu.memory_space<hbm>> -> memref<7744x128xf32, #tpu.memory_space<hbm>>
    tpu.wait_indirect_dma semaphore(%arg13 : memref<!tpu.dma_semaphore, #tpu.memory_space<semaphore_mem>>) src(%dma_wait3A_140 : memref<7744x128xf32, #tpu.memory_space<hbm>>) dst(%arg11 : memref<400x128xf32, #tpu.memory_space<vmem>>)
    %dma_start3A_141 = arith.constant 0 : i32
    %dma_start3A_142 = tpu.memref_slice %arg6[%mul3A_115, %dma_start3A_141] : memref<100000x128xf32, #tpu.memory_space<hbm>> -> memref<400x128xf32, #tpu.memory_space<hbm>>
    %dma_start3A_143 = arith.constant 0 : i32
    %dma_start3A_144 = tpu.memref_slice %arg6[%mul3A_115, %dma_start3A_143] : memref<100000x128xf32, #tpu.memory_space<hbm>> -> memref<400x128xf32, #tpu.memory_space<hbm>>
    tpu.enqueue_dma source(%arg11 : memref<400x128xf32, #tpu.memory_space<vmem>>) target(%dma_start3A_144 : memref<400x128xf32, #tpu.memory_space<hbm>>) target_semaphore(%arg15 : memref<!tpu.dma_semaphore, #tpu.memory_space<semaphore_mem>>)
    %dma_wait3A_145 = arith.constant 0 : i32
    %dma_wait3A_146 = tpu.memref_slice %arg6[%mul3A_76, %dma_wait3A_145] : memref<100000x128xf32, #tpu.memory_space<hbm>> -> memref<400x128xf32, #tpu.memory_space<hbm>>
    %dma_wait3A_147 = arith.constant 0 : i32
    %dma_wait3A_148 = tpu.memref_slice %arg6[%mul3A_76, %dma_wait3A_147] : memref<100000x128xf32, #tpu.memory_space<hbm>> -> memref<400x128xf32, #tpu.memory_space<hbm>>
    tpu.wait_dma2 semaphore(%arg14 : memref<!tpu.dma_semaphore, #tpu.memory_space<semaphore_mem>>) src(%arg10 : memref<400x128xf32, #tpu.memory_space<vmem>>) dst(%dma_wait3A_148 : memref<400x128xf32, #tpu.memory_space<hbm>>)
    %add3A_149 = arith.constant 128 : i32
    %add3A_150 = arith.addi %add3A, %add3A_149 : i32
    %min3A_151 = arith.constant 249 : i32
    %min3A_152 = arith.minsi %add3A_150, %min3A_151 : i32
    %mul3A_153 = arith.constant 400 : i32
    %mul3A_154 = arith.muli %min3A_152, %mul3A_153 : i32
    %dma_start3A_155 = tpu.memref_slice %arg2[%mul3A_154] : memref<100000xi32, #tpu.memory_space<hbm>> -> memref<400xi32, #tpu.memory_space<hbm>>
    %dma_start3A_156 = tpu.memref_slice %arg2[%mul3A_154] : memref<100000xi32, #tpu.memory_space<hbm>> -> memref<400xi32, #tpu.memory_space<hbm>>
    tpu.enqueue_dma source(%dma_start3A_156 : memref<400xi32, #tpu.memory_space<hbm>>) target(%arg7 : memref<400xi32, #tpu.memory_space<vmem>>) target_semaphore(%arg12 : memref<!tpu.dma_semaphore, #tpu.memory_space<semaphore_mem>>)
    %dma_start3A_157 = tpu.memref_slice %arg3[%mul3A_154] : memref<100000xi32, #tpu.memory_space<hbm>> -> memref<400xi32, #tpu.memory_space<hbm>>
    %dma_start3A_158 = tpu.memref_slice %arg3[%mul3A_154] : memref<100000xi32, #tpu.memory_space<hbm>> -> memref<400xi32, #tpu.memory_space<hbm>>
    tpu.enqueue_dma source(%dma_start3A_158 : memref<400xi32, #tpu.memory_space<hbm>>) target(%arg8 : memref<400xi32, #tpu.memory_space<vmem>>) target_semaphore(%arg12 : memref<!tpu.dma_semaphore, #tpu.memory_space<semaphore_mem>>)
    %dma_start3A_159 = tpu.memref_slice %arg4[%mul3A_154] : memref<100000xi32, #tpu.memory_space<hbm>> -> memref<400xi32, #tpu.memory_space<hbm>>
    %dma_start3A_160 = tpu.memref_slice %arg4[%mul3A_154] : memref<100000xi32, #tpu.memory_space<hbm>> -> memref<400xi32, #tpu.memory_space<hbm>>
    tpu.enqueue_dma source(%dma_start3A_160 : memref<400xi32, #tpu.memory_space<hbm>>) target(%arg9 : memref<400xi32, #tpu.memory_space<vmem>>) target_semaphore(%arg12 : memref<!tpu.dma_semaphore, #tpu.memory_space<semaphore_mem>>)
    %dma_wait3A_161 = tpu.memref_slice %arg2[%mul3A_154] : memref<100000xi32, #tpu.memory_space<hbm>> -> memref<400xi32, #tpu.memory_space<hbm>>
    %dma_wait3A_162 = tpu.memref_slice %arg2[%mul3A_154] : memref<100000xi32, #tpu.memory_space<hbm>> -> memref<400xi32, #tpu.memory_space<hbm>>
    tpu.wait_dma2 semaphore(%arg12 : memref<!tpu.dma_semaphore, #tpu.memory_space<semaphore_mem>>) src(%dma_wait3A_162 : memref<400xi32, #tpu.memory_space<hbm>>) dst(%arg7 : memref<400xi32, #tpu.memory_space<vmem>>)
    %dma_wait3A_163 = tpu.memref_slice %arg3[%mul3A_154] : memref<100000xi32, #tpu.memory_space<hbm>> -> memref<400xi32, #tpu.memory_space<hbm>>
    %dma_wait3A_164 = tpu.memref_slice %arg3[%mul3A_154] : memref<100000xi32, #tpu.memory_space<hbm>> -> memref<400xi32, #tpu.memory_space<hbm>>
    tpu.wait_dma2 semaphore(%arg12 : memref<!tpu.dma_semaphore, #tpu.memory_space<semaphore_mem>>) src(%dma_wait3A_164 : memref<400xi32, #tpu.memory_space<hbm>>) dst(%arg8 : memref<400xi32, #tpu.memory_space<vmem>>)
    %dma_wait3A_165 = tpu.memref_slice %arg4[%mul3A_154] : memref<100000xi32, #tpu.memory_space<hbm>> -> memref<400xi32, #tpu.memory_space<hbm>>
    %dma_wait3A_166 = tpu.memref_slice %arg4[%mul3A_154] : memref<100000xi32, #tpu.memory_space<hbm>> -> memref<400xi32, #tpu.memory_space<hbm>>
    tpu.wait_dma2 semaphore(%arg12 : memref<!tpu.dma_semaphore, #tpu.memory_space<semaphore_mem>>) src(%dma_wait3A_166 : memref<400xi32, #tpu.memory_space<hbm>>) dst(%arg9 : memref<400xi32, #tpu.memory_space<vmem>>)
    %scan3A_167 = arith.constant 0 : i32
    %scan3A_168 = arith.constant 0 : i32
    %scan3A_169 = arith.constant 25 : i32
    %scan3A_170 = arith.addi %scan3A_168, %scan3A_169 : i32
    %scan3A_171 = arith.constant 1 : i32
    %scan3A_172 = scf.for %scan3A_309 = %scan3A_168 to %scan3A_170 step %scan3A_171 iter_args(%scan3A_310 = %scan3A_167) -> (i32)  : i32 {
      %mul3A_311 = arith.constant 16 : i32
      %mul3A_312 = arith.muli %scan3A_309, %mul3A_311 : i32
      %get3A = arith.index_cast %mul3A_312 : i32 to index
      %get3A_313 = tpu.vector_load %arg7[%get3A] {strides = array<i32>} : memref<400xi32, #tpu.memory_space<vmem>>, vector<16xi32>,
      %get3A_314 = vector.shape_cast %get3A_313 : vector<16xi32> to vector<16xi32>
      %mul3A_315 = arith.constant 176 : i32
      %mul3A_316 = vector.broadcast %mul3A_315 : i32 to vector<16xi32>
      %mul3A_317 = arith.muli %get3A_314, %mul3A_316 : vector<16xi32>
      %get3A_318 = arith.index_cast %mul3A_312 : i32 to index
      %get3A_319 = tpu.vector_load %arg8[%get3A_318] {strides = array<i32>} : memref<400xi32, #tpu.memory_space<vmem>>, vector<16xi32>,
      %get3A_320 = vector.shape_cast %get3A_319 : vector<16xi32> to vector<16xi32>
      %mul3A_321 = arith.constant 8 : i32
      %mul3A_322 = vector.broadcast %mul3A_321 : i32 to vector<16xi32>
      %mul3A_323 = arith.muli %get3A_320, %mul3A_322 : vector<16xi32>
      %add3A_324 = arith.addi %mul3A_317, %mul3A_323 : vector<16xi32>
      %get3A_325 = arith.index_cast %mul3A_312 : i32 to index
      %get3A_326 = tpu.vector_load %arg9[%get3A_325] {strides = array<i32>} : memref<400xi32, #tpu.memory_space<vmem>>, vector<16xi32>,
      %get3A_327 = vector.shape_cast %get3A_326 : vector<16xi32> to vector<16xi32>
      %add3A_328 = arith.addi %add3A_324, %get3A_327 : vector<16xi32>
      %swap3A = arith.index_cast %mul3A_312 : i32 to index
      %swap3A_329 = tpu.vector_load %arg7[%swap3A] {strides = array<i32>} : memref<400xi32, #tpu.memory_space<vmem>>, vector<16xi32>,
      %swap3A_330 = vector.shape_cast %swap3A_329 : vector<16xi32> to vector<16xi32>
      %swap3A_331 = vector.shape_cast %add3A_328 : vector<16xi32> to vector<16xi32>
      tpu.vector_store %arg7[%swap3A], %swap3A_331 {strides = array<i32>} : memref<400xi32, #tpu.memory_space<vmem>>, vector<16xi32>,
      %scan3A_332 = arith.constant 0 : i32
      scf.yield %scan3A_332 : i32
    }
    %scan3A_173 = arith.constant 25 : i32
    %dma_start3A_174 = arith.constant 0 : i32
    %dma_start3A_175 = arith.constant 0 : i32
    %dma_start3A_176 = tpu.memref_slice %arg5[%dma_start3A_174, %dma_start3A_175] : memref<7744x128xf32, #tpu.memory_space<hbm>> -> memref<7744x128xf32, #tpu.memory_space<hbm>>
    tpu.enqueue_indirect_dma source(%dma_start3A_176 : memref<7744x128xf32, #tpu.memory_space<hbm>>) target(%arg10 : memref<400x128xf32, #tpu.memory_space<vmem>>) offsets(%arg7 : memref<400xi32, #tpu.memory_space<vmem>>) semaphore(%arg13 : memref<!tpu.dma_semaphore, #tpu.memory_space<semaphore_mem>>)
    %dma_wait3A_177 = arith.constant 0 : i32
    %dma_wait3A_178 = arith.constant 0 : i32
    %dma_wait3A_179 = tpu.memref_slice %arg5[%dma_wait3A_177, %dma_wait3A_178] : memref<7744x128xf32, #tpu.memory_space<hbm>> -> memref<7744x128xf32, #tpu.memory_space<hbm>>
    tpu.wait_indirect_dma semaphore(%arg13 : memref<!tpu.dma_semaphore, #tpu.memory_space<semaphore_mem>>) src(%dma_wait3A_179 : memref<7744x128xf32, #tpu.memory_space<hbm>>) dst(%arg10 : memref<400x128xf32, #tpu.memory_space<vmem>>)
    %dma_start3A_180 = arith.constant 0 : i32
    %dma_start3A_181 = tpu.memref_slice %arg6[%mul3A_154, %dma_start3A_180] : memref<100000x128xf32, #tpu.memory_space<hbm>> -> memref<400x128xf32, #tpu.memory_space<hbm>>
    %dma_start3A_182 = arith.constant 0 : i32
    %dma_start3A_183 = tpu.memref_slice %arg6[%mul3A_154, %dma_start3A_182] : memref<100000x128xf32, #tpu.memory_space<hbm>> -> memref<400x128xf32, #tpu.memory_space<hbm>>
    tpu.enqueue_dma source(%arg10 : memref<400x128xf32, #tpu.memory_space<vmem>>) target(%dma_start3A_183 : memref<400x128xf32, #tpu.memory_space<hbm>>) target_semaphore(%arg14 : memref<!tpu.dma_semaphore, #tpu.memory_space<semaphore_mem>>)
    %dma_wait3A_184 = arith.constant 0 : i32
    %dma_wait3A_185 = tpu.memref_slice %arg6[%mul3A_115, %dma_wait3A_184] : memref<100000x128xf32, #tpu.memory_space<hbm>> -> memref<400x128xf32, #tpu.memory_space<hbm>>
    %dma_wait3A_186 = arith.constant 0 : i32
    %dma_wait3A_187 = tpu.memref_slice %arg6[%mul3A_115, %dma_wait3A_186] : memref<100000x128xf32, #tpu.memory_space<hbm>> -> memref<400x128xf32, #tpu.memory_space<hbm>>
    tpu.wait_dma2 semaphore(%arg15 : memref<!tpu.dma_semaphore, #tpu.memory_space<semaphore_mem>>) src(%arg11 : memref<400x128xf32, #tpu.memory_space<vmem>>) dst(%dma_wait3A_187 : memref<400x128xf32, #tpu.memory_space<hbm>>)
    %add3A_188 = arith.constant 160 : i32
    %add3A_189 = arith.addi %add3A, %add3A_188 : i32
    %min3A_190 = arith.constant 249 : i32
    %min3A_191 = arith.minsi %add3A_189, %min3A_190 : i32
    %mul3A_192 = arith.constant 400 : i32
    %mul3A_193 = arith.muli %min3A_191, %mul3A_192 : i32
    %dma_start3A_194 = tpu.memref_slice %arg2[%mul3A_193] : memref<100000xi32, #tpu.memory_space<hbm>> -> memref<400xi32, #tpu.memory_space<hbm>>
    %dma_start3A_195 = tpu.memref_slice %arg2[%mul3A_193] : memref<100000xi32, #tpu.memory_space<hbm>> -> memref<400xi32, #tpu.memory_space<hbm>>
    tpu.enqueue_dma source(%dma_start3A_195 : memref<400xi32, #tpu.memory_space<hbm>>) target(%arg7 : memref<400xi32, #tpu.memory_space<vmem>>) target_semaphore(%arg12 : memref<!tpu.dma_semaphore, #tpu.memory_space<semaphore_mem>>)
    %dma_start3A_196 = tpu.memref_slice %arg3[%mul3A_193] : memref<100000xi32, #tpu.memory_space<hbm>> -> memref<400xi32, #tpu.memory_space<hbm>>
    %dma_start3A_197 = tpu.memref_slice %arg3[%mul3A_193] : memref<100000xi32, #tpu.memory_space<hbm>> -> memref<400xi32, #tpu.memory_space<hbm>>
    tpu.enqueue_dma source(%dma_start3A_197 : memref<400xi32, #tpu.memory_space<hbm>>) target(%arg8 : memref<400xi32, #tpu.memory_space<vmem>>) target_semaphore(%arg12 : memref<!tpu.dma_semaphore, #tpu.memory_space<semaphore_mem>>)
    %dma_start3A_198 = tpu.memref_slice %arg4[%mul3A_193] : memref<100000xi32, #tpu.memory_space<hbm>> -> memref<400xi32, #tpu.memory_space<hbm>>
    %dma_start3A_199 = tpu.memref_slice %arg4[%mul3A_193] : memref<100000xi32, #tpu.memory_space<hbm>> -> memref<400xi32, #tpu.memory_space<hbm>>
    tpu.enqueue_dma source(%dma_start3A_199 : memref<400xi32, #tpu.memory_space<hbm>>) target(%arg9 : memref<400xi32, #tpu.memory_space<vmem>>) target_semaphore(%arg12 : memref<!tpu.dma_semaphore, #tpu.memory_space<semaphore_mem>>)
    %dma_wait3A_200 = tpu.memref_slice %arg2[%mul3A_193] : memref<100000xi32, #tpu.memory_space<hbm>> -> memref<400xi32, #tpu.memory_space<hbm>>
    %dma_wait3A_201 = tpu.memref_slice %arg2[%mul3A_193] : memref<100000xi32, #tpu.memory_space<hbm>> -> memref<400xi32, #tpu.memory_space<hbm>>
    tpu.wait_dma2 semaphore(%arg12 : memref<!tpu.dma_semaphore, #tpu.memory_space<semaphore_mem>>) src(%dma_wait3A_201 : memref<400xi32, #tpu.memory_space<hbm>>) dst(%arg7 : memref<400xi32, #tpu.memory_space<vmem>>)
    %dma_wait3A_202 = tpu.memref_slice %arg3[%mul3A_193] : memref<100000xi32, #tpu.memory_space<hbm>> -> memref<400xi32, #tpu.memory_space<hbm>>
    %dma_wait3A_203 = tpu.memref_slice %arg3[%mul3A_193] : memref<100000xi32, #tpu.memory_space<hbm>> -> memref<400xi32, #tpu.memory_space<hbm>>
    tpu.wait_dma2 semaphore(%arg12 : memref<!tpu.dma_semaphore, #tpu.memory_space<semaphore_mem>>) src(%dma_wait3A_203 : memref<400xi32, #tpu.memory_space<hbm>>) dst(%arg8 : memref<400xi32, #tpu.memory_space<vmem>>)
    %dma_wait3A_204 = tpu.memref_slice %arg4[%mul3A_193] : memref<100000xi32, #tpu.memory_space<hbm>> -> memref<400xi32, #tpu.memory_space<hbm>>
    %dma_wait3A_205 = tpu.memref_slice %arg4[%mul3A_193] : memref<100000xi32, #tpu.memory_space<hbm>> -> memref<400xi32, #tpu.memory_space<hbm>>
    tpu.wait_dma2 semaphore(%arg12 : memref<!tpu.dma_semaphore, #tpu.memory_space<semaphore_mem>>) src(%dma_wait3A_205 : memref<400xi32, #tpu.memory_space<hbm>>) dst(%arg9 : memref<400xi32, #tpu.memory_space<vmem>>)
    %scan3A_206 = arith.constant 0 : i32
    %scan3A_207 = arith.constant 0 : i32
    %scan3A_208 = arith.constant 25 : i32
    %scan3A_209 = arith.addi %scan3A_207, %scan3A_208 : i32
    %scan3A_210 = arith.constant 1 : i32
    %scan3A_211 = scf.for %scan3A_309 = %scan3A_207 to %scan3A_209 step %scan3A_210 iter_args(%scan3A_310 = %scan3A_206) -> (i32)  : i32 {
      %mul3A_311 = arith.constant 16 : i32
      %mul3A_312 = arith.muli %scan3A_309, %mul3A_311 : i32
      %get3A = arith.index_cast %mul3A_312 : i32 to index
      %get3A_313 = tpu.vector_load %arg7[%get3A] {strides = array<i32>} : memref<400xi32, #tpu.memory_space<vmem>>, vector<16xi32>,
      %get3A_314 = vector.shape_cast %get3A_313 : vector<16xi32> to vector<16xi32>
      %mul3A_315 = arith.constant 176 : i32
      %mul3A_316 = vector.broadcast %mul3A_315 : i32 to vector<16xi32>
      %mul3A_317 = arith.muli %get3A_314, %mul3A_316 : vector<16xi32>
      %get3A_318 = arith.index_cast %mul3A_312 : i32 to index
      %get3A_319 = tpu.vector_load %arg8[%get3A_318] {strides = array<i32>} : memref<400xi32, #tpu.memory_space<vmem>>, vector<16xi32>,
      %get3A_320 = vector.shape_cast %get3A_319 : vector<16xi32> to vector<16xi32>
      %mul3A_321 = arith.constant 8 : i32
      %mul3A_322 = vector.broadcast %mul3A_321 : i32 to vector<16xi32>
      %mul3A_323 = arith.muli %get3A_320, %mul3A_322 : vector<16xi32>
      %add3A_324 = arith.addi %mul3A_317, %mul3A_323 : vector<16xi32>
      %get3A_325 = arith.index_cast %mul3A_312 : i32 to index
      %get3A_326 = tpu.vector_load %arg9[%get3A_325] {strides = array<i32>} : memref<400xi32, #tpu.memory_space<vmem>>, vector<16xi32>,
      %get3A_327 = vector.shape_cast %get3A_326 : vector<16xi32> to vector<16xi32>
      %add3A_328 = arith.addi %add3A_324, %get3A_327 : vector<16xi32>
      %swap3A = arith.index_cast %mul3A_312 : i32 to index
      %swap3A_329 = tpu.vector_load %arg7[%swap3A] {strides = array<i32>} : memref<400xi32, #tpu.memory_space<vmem>>, vector<16xi32>,
      %swap3A_330 = vector.shape_cast %swap3A_329 : vector<16xi32> to vector<16xi32>
      %swap3A_331 = vector.shape_cast %add3A_328 : vector<16xi32> to vector<16xi32>
      tpu.vector_store %arg7[%swap3A], %swap3A_331 {strides = array<i32>} : memref<400xi32, #tpu.memory_space<vmem>>, vector<16xi32>,
      %scan3A_332 = arith.constant 0 : i32
      scf.yield %scan3A_332 : i32
    }
    %scan3A_212 = arith.constant 25 : i32
    %dma_start3A_213 = arith.constant 0 : i32
    %dma_start3A_214 = arith.constant 0 : i32
    %dma_start3A_215 = tpu.memref_slice %arg5[%dma_start3A_213, %dma_start3A_214] : memref<7744x128xf32, #tpu.memory_space<hbm>> -> memref<7744x128xf32, #tpu.memory_space<hbm>>
    tpu.enqueue_indirect_dma source(%dma_start3A_215 : memref<7744x128xf32, #tpu.memory_space<hbm>>) target(%arg11 : memref<400x128xf32, #tpu.memory_space<vmem>>) offsets(%arg7 : memref<400xi32, #tpu.memory_space<vmem>>) semaphore(%arg13 : memref<!tpu.dma_semaphore, #tpu.memory_space<semaphore_mem>>)
    %dma_wait3A_216 = arith.constant 0 : i32
    %dma_wait3A_217 = arith.constant 0 : i32
    %dma_wait3A_218 = tpu.memref_slice %arg5[%dma_wait3A_216, %dma_wait3A_217] : memref<7744x128xf32, #tpu.memory_space<hbm>> -> memref<7744x128xf32, #tpu.memory_space<hbm>>
    tpu.wait_indirect_dma semaphore(%arg13 : memref<!tpu.dma_semaphore, #tpu.memory_space<semaphore_mem>>) src(%dma_wait3A_218 : memref<7744x128xf32, #tpu.memory_space<hbm>>) dst(%arg11 : memref<400x128xf32, #tpu.memory_space<vmem>>)
    %dma_start3A_219 = arith.constant 0 : i32
    %dma_start3A_220 = tpu.memref_slice %arg6[%mul3A_193, %dma_start3A_219] : memref<100000x128xf32, #tpu.memory_space<hbm>> -> memref<400x128xf32, #tpu.memory_space<hbm>>
    %dma_start3A_221 = arith.constant 0 : i32
    %dma_start3A_222 = tpu.memref_slice %arg6[%mul3A_193, %dma_start3A_221] : memref<100000x128xf32, #tpu.memory_space<hbm>> -> memref<400x128xf32, #tpu.memory_space<hbm>>
    tpu.enqueue_dma source(%arg11 : memref<400x128xf32, #tpu.memory_space<vmem>>) target(%dma_start3A_222 : memref<400x128xf32, #tpu.memory_space<hbm>>) target_semaphore(%arg15 : memref<!tpu.dma_semaphore, #tpu.memory_space<semaphore_mem>>)
    %dma_wait3A_223 = arith.constant 0 : i32
    %dma_wait3A_224 = tpu.memref_slice %arg6[%mul3A_154, %dma_wait3A_223] : memref<100000x128xf32, #tpu.memory_space<hbm>> -> memref<400x128xf32, #tpu.memory_space<hbm>>
    %dma_wait3A_225 = arith.constant 0 : i32
    %dma_wait3A_226 = tpu.memref_slice %arg6[%mul3A_154, %dma_wait3A_225] : memref<100000x128xf32, #tpu.memory_space<hbm>> -> memref<400x128xf32, #tpu.memory_space<hbm>>
    tpu.wait_dma2 semaphore(%arg14 : memref<!tpu.dma_semaphore, #tpu.memory_space<semaphore_mem>>) src(%arg10 : memref<400x128xf32, #tpu.memory_space<vmem>>) dst(%dma_wait3A_226 : memref<400x128xf32, #tpu.memory_space<hbm>>)
    %add3A_227 = arith.constant 192 : i32
    %add3A_228 = arith.addi %add3A, %add3A_227 : i32
    %min3A_229 = arith.constant 249 : i32
    %min3A_230 = arith.minsi %add3A_228, %min3A_229 : i32
    %mul3A_231 = arith.constant 400 : i32
    %mul3A_232 = arith.muli %min3A_230, %mul3A_231 : i32
    %dma_start3A_233 = tpu.memref_slice %arg2[%mul3A_232] : memref<100000xi32, #tpu.memory_space<hbm>> -> memref<400xi32, #tpu.memory_space<hbm>>
    %dma_start3A_234 = tpu.memref_slice %arg2[%mul3A_232] : memref<100000xi32, #tpu.memory_space<hbm>> -> memref<400xi32, #tpu.memory_space<hbm>>
    tpu.enqueue_dma source(%dma_start3A_234 : memref<400xi32, #tpu.memory_space<hbm>>) target(%arg7 : memref<400xi32, #tpu.memory_space<vmem>>) target_semaphore(%arg12 : memref<!tpu.dma_semaphore, #tpu.memory_space<semaphore_mem>>)
    %dma_start3A_235 = tpu.memref_slice %arg3[%mul3A_232] : memref<100000xi32, #tpu.memory_space<hbm>> -> memref<400xi32, #tpu.memory_space<hbm>>
    %dma_start3A_236 = tpu.memref_slice %arg3[%mul3A_232] : memref<100000xi32, #tpu.memory_space<hbm>> -> memref<400xi32, #tpu.memory_space<hbm>>
    tpu.enqueue_dma source(%dma_start3A_236 : memref<400xi32, #tpu.memory_space<hbm>>) target(%arg8 : memref<400xi32, #tpu.memory_space<vmem>>) target_semaphore(%arg12 : memref<!tpu.dma_semaphore, #tpu.memory_space<semaphore_mem>>)
    %dma_start3A_237 = tpu.memref_slice %arg4[%mul3A_232] : memref<100000xi32, #tpu.memory_space<hbm>> -> memref<400xi32, #tpu.memory_space<hbm>>
    %dma_start3A_238 = tpu.memref_slice %arg4[%mul3A_232] : memref<100000xi32, #tpu.memory_space<hbm>> -> memref<400xi32, #tpu.memory_space<hbm>>
    tpu.enqueue_dma source(%dma_start3A_238 : memref<400xi32, #tpu.memory_space<hbm>>) target(%arg9 : memref<400xi32, #tpu.memory_space<vmem>>) target_semaphore(%arg12 : memref<!tpu.dma_semaphore, #tpu.memory_space<semaphore_mem>>)
    %dma_wait3A_239 = tpu.memref_slice %arg2[%mul3A_232] : memref<100000xi32, #tpu.memory_space<hbm>> -> memref<400xi32, #tpu.memory_space<hbm>>
    %dma_wait3A_240 = tpu.memref_slice %arg2[%mul3A_232] : memref<100000xi32, #tpu.memory_space<hbm>> -> memref<400xi32, #tpu.memory_space<hbm>>
    tpu.wait_dma2 semaphore(%arg12 : memref<!tpu.dma_semaphore, #tpu.memory_space<semaphore_mem>>) src(%dma_wait3A_240 : memref<400xi32, #tpu.memory_space<hbm>>) dst(%arg7 : memref<400xi32, #tpu.memory_space<vmem>>)
    %dma_wait3A_241 = tpu.memref_slice %arg3[%mul3A_232] : memref<100000xi32, #tpu.memory_space<hbm>> -> memref<400xi32, #tpu.memory_space<hbm>>
    %dma_wait3A_242 = tpu.memref_slice %arg3[%mul3A_232] : memref<100000xi32, #tpu.memory_space<hbm>> -> memref<400xi32, #tpu.memory_space<hbm>>
    tpu.wait_dma2 semaphore(%arg12 : memref<!tpu.dma_semaphore, #tpu.memory_space<semaphore_mem>>) src(%dma_wait3A_242 : memref<400xi32, #tpu.memory_space<hbm>>) dst(%arg8 : memref<400xi32, #tpu.memory_space<vmem>>)
    %dma_wait3A_243 = tpu.memref_slice %arg4[%mul3A_232] : memref<100000xi32, #tpu.memory_space<hbm>> -> memref<400xi32, #tpu.memory_space<hbm>>
    %dma_wait3A_244 = tpu.memref_slice %arg4[%mul3A_232] : memref<100000xi32, #tpu.memory_space<hbm>> -> memref<400xi32, #tpu.memory_space<hbm>>
    tpu.wait_dma2 semaphore(%arg12 : memref<!tpu.dma_semaphore, #tpu.memory_space<semaphore_mem>>) src(%dma_wait3A_244 : memref<400xi32, #tpu.memory_space<hbm>>) dst(%arg9 : memref<400xi32, #tpu.memory_space<vmem>>)
    %scan3A_245 = arith.constant 0 : i32
    %scan3A_246 = arith.constant 0 : i32
    %scan3A_247 = arith.constant 25 : i32
    %scan3A_248 = arith.addi %scan3A_246, %scan3A_247 : i32
    %scan3A_249 = arith.constant 1 : i32
    %scan3A_250 = scf.for %scan3A_309 = %scan3A_246 to %scan3A_248 step %scan3A_249 iter_args(%scan3A_310 = %scan3A_245) -> (i32)  : i32 {
      %mul3A_311 = arith.constant 16 : i32
      %mul3A_312 = arith.muli %scan3A_309, %mul3A_311 : i32
      %get3A = arith.index_cast %mul3A_312 : i32 to index
      %get3A_313 = tpu.vector_load %arg7[%get3A] {strides = array<i32>} : memref<400xi32, #tpu.memory_space<vmem>>, vector<16xi32>,
      %get3A_314 = vector.shape_cast %get3A_313 : vector<16xi32> to vector<16xi32>
      %mul3A_315 = arith.constant 176 : i32
      %mul3A_316 = vector.broadcast %mul3A_315 : i32 to vector<16xi32>
      %mul3A_317 = arith.muli %get3A_314, %mul3A_316 : vector<16xi32>
      %get3A_318 = arith.index_cast %mul3A_312 : i32 to index
      %get3A_319 = tpu.vector_load %arg8[%get3A_318] {strides = array<i32>} : memref<400xi32, #tpu.memory_space<vmem>>, vector<16xi32>,
      %get3A_320 = vector.shape_cast %get3A_319 : vector<16xi32> to vector<16xi32>
      %mul3A_321 = arith.constant 8 : i32
      %mul3A_322 = vector.broadcast %mul3A_321 : i32 to vector<16xi32>
      %mul3A_323 = arith.muli %get3A_320, %mul3A_322 : vector<16xi32>
      %add3A_324 = arith.addi %mul3A_317, %mul3A_323 : vector<16xi32>
      %get3A_325 = arith.index_cast %mul3A_312 : i32 to index
      %get3A_326 = tpu.vector_load %arg9[%get3A_325] {strides = array<i32>} : memref<400xi32, #tpu.memory_space<vmem>>, vector<16xi32>,
      %get3A_327 = vector.shape_cast %get3A_326 : vector<16xi32> to vector<16xi32>
      %add3A_328 = arith.addi %add3A_324, %get3A_327 : vector<16xi32>
      %swap3A = arith.index_cast %mul3A_312 : i32 to index
      %swap3A_329 = tpu.vector_load %arg7[%swap3A] {strides = array<i32>} : memref<400xi32, #tpu.memory_space<vmem>>, vector<16xi32>,
      %swap3A_330 = vector.shape_cast %swap3A_329 : vector<16xi32> to vector<16xi32>
      %swap3A_331 = vector.shape_cast %add3A_328 : vector<16xi32> to vector<16xi32>
      tpu.vector_store %arg7[%swap3A], %swap3A_331 {strides = array<i32>} : memref<400xi32, #tpu.memory_space<vmem>>, vector<16xi32>,
      %scan3A_332 = arith.constant 0 : i32
      scf.yield %scan3A_332 : i32
    }
    %scan3A_251 = arith.constant 25 : i32
    %dma_start3A_252 = arith.constant 0 : i32
    %dma_start3A_253 = arith.constant 0 : i32
    %dma_start3A_254 = tpu.memref_slice %arg5[%dma_start3A_252, %dma_start3A_253] : memref<7744x128xf32, #tpu.memory_space<hbm>> -> memref<7744x128xf32, #tpu.memory_space<hbm>>
    tpu.enqueue_indirect_dma source(%dma_start3A_254 : memref<7744x128xf32, #tpu.memory_space<hbm>>) target(%arg10 : memref<400x128xf32, #tpu.memory_space<vmem>>) offsets(%arg7 : memref<400xi32, #tpu.memory_space<vmem>>) semaphore(%arg13 : memref<!tpu.dma_semaphore, #tpu.memory_space<semaphore_mem>>)
    %dma_wait3A_255 = arith.constant 0 : i32
    %dma_wait3A_256 = arith.constant 0 : i32
    %dma_wait3A_257 = tpu.memref_slice %arg5[%dma_wait3A_255, %dma_wait3A_256] : memref<7744x128xf32, #tpu.memory_space<hbm>> -> memref<7744x128xf32, #tpu.memory_space<hbm>>
    tpu.wait_indirect_dma semaphore(%arg13 : memref<!tpu.dma_semaphore, #tpu.memory_space<semaphore_mem>>) src(%dma_wait3A_257 : memref<7744x128xf32, #tpu.memory_space<hbm>>) dst(%arg10 : memref<400x128xf32, #tpu.memory_space<vmem>>)
    %dma_start3A_258 = arith.constant 0 : i32
    %dma_start3A_259 = tpu.memref_slice %arg6[%mul3A_232, %dma_start3A_258] : memref<100000x128xf32, #tpu.memory_space<hbm>> -> memref<400x128xf32, #tpu.memory_space<hbm>>
    %dma_start3A_260 = arith.constant 0 : i32
    %dma_start3A_261 = tpu.memref_slice %arg6[%mul3A_232, %dma_start3A_260] : memref<100000x128xf32, #tpu.memory_space<hbm>> -> memref<400x128xf32, #tpu.memory_space<hbm>>
    tpu.enqueue_dma source(%arg10 : memref<400x128xf32, #tpu.memory_space<vmem>>) target(%dma_start3A_261 : memref<400x128xf32, #tpu.memory_space<hbm>>) target_semaphore(%arg14 : memref<!tpu.dma_semaphore, #tpu.memory_space<semaphore_mem>>)
    %dma_wait3A_262 = arith.constant 0 : i32
    %dma_wait3A_263 = tpu.memref_slice %arg6[%mul3A_193, %dma_wait3A_262] : memref<100000x128xf32, #tpu.memory_space<hbm>> -> memref<400x128xf32, #tpu.memory_space<hbm>>
    %dma_wait3A_264 = arith.constant 0 : i32
    %dma_wait3A_265 = tpu.memref_slice %arg6[%mul3A_193, %dma_wait3A_264] : memref<100000x128xf32, #tpu.memory_space<hbm>> -> memref<400x128xf32, #tpu.memory_space<hbm>>
    tpu.wait_dma2 semaphore(%arg15 : memref<!tpu.dma_semaphore, #tpu.memory_space<semaphore_mem>>) src(%arg11 : memref<400x128xf32, #tpu.memory_space<vmem>>) dst(%dma_wait3A_265 : memref<400x128xf32, #tpu.memory_space<hbm>>)
    %add3A_266 = arith.constant 224 : i32
    %add3A_267 = arith.addi %add3A, %add3A_266 : i32
    %min3A_268 = arith.constant 249 : i32
    %min3A_269 = arith.minsi %add3A_267, %min3A_268 : i32
    %mul3A_270 = arith.constant 400 : i32
    %mul3A_271 = arith.muli %min3A_269, %mul3A_270 : i32
    %dma_start3A_272 = tpu.memref_slice %arg2[%mul3A_271] : memref<100000xi32, #tpu.memory_space<hbm>> -> memref<400xi32, #tpu.memory_space<hbm>>
    %dma_start3A_273 = tpu.memref_slice %arg2[%mul3A_271] : memref<100000xi32, #tpu.memory_space<hbm>> -> memref<400xi32, #tpu.memory_space<hbm>>
    tpu.enqueue_dma source(%dma_start3A_273 : memref<400xi32, #tpu.memory_space<hbm>>) target(%arg7 : memref<400xi32, #tpu.memory_space<vmem>>) target_semaphore(%arg12 : memref<!tpu.dma_semaphore, #tpu.memory_space<semaphore_mem>>)
    %dma_start3A_274 = tpu.memref_slice %arg3[%mul3A_271] : memref<100000xi32, #tpu.memory_space<hbm>> -> memref<400xi32, #tpu.memory_space<hbm>>
    %dma_start3A_275 = tpu.memref_slice %arg3[%mul3A_271] : memref<100000xi32, #tpu.memory_space<hbm>> -> memref<400xi32, #tpu.memory_space<hbm>>
    tpu.enqueue_dma source(%dma_start3A_275 : memref<400xi32, #tpu.memory_space<hbm>>) target(%arg8 : memref<400xi32, #tpu.memory_space<vmem>>) target_semaphore(%arg12 : memref<!tpu.dma_semaphore, #tpu.memory_space<semaphore_mem>>)
    %dma_start3A_276 = tpu.memref_slice %arg4[%mul3A_271] : memref<100000xi32, #tpu.memory_space<hbm>> -> memref<400xi32, #tpu.memory_space<hbm>>
    %dma_start3A_277 = tpu.memref_slice %arg4[%mul3A_271] : memref<100000xi32, #tpu.memory_space<hbm>> -> memref<400xi32, #tpu.memory_space<hbm>>
    tpu.enqueue_dma source(%dma_start3A_277 : memref<400xi32, #tpu.memory_space<hbm>>) target(%arg9 : memref<400xi32, #tpu.memory_space<vmem>>) target_semaphore(%arg12 : memref<!tpu.dma_semaphore, #tpu.memory_space<semaphore_mem>>)
    %dma_wait3A_278 = tpu.memref_slice %arg2[%mul3A_271] : memref<100000xi32, #tpu.memory_space<hbm>> -> memref<400xi32, #tpu.memory_space<hbm>>
    %dma_wait3A_279 = tpu.memref_slice %arg2[%mul3A_271] : memref<100000xi32, #tpu.memory_space<hbm>> -> memref<400xi32, #tpu.memory_space<hbm>>
    tpu.wait_dma2 semaphore(%arg12 : memref<!tpu.dma_semaphore, #tpu.memory_space<semaphore_mem>>) src(%dma_wait3A_279 : memref<400xi32, #tpu.memory_space<hbm>>) dst(%arg7 : memref<400xi32, #tpu.memory_space<vmem>>)
    %dma_wait3A_280 = tpu.memref_slice %arg3[%mul3A_271] : memref<100000xi32, #tpu.memory_space<hbm>> -> memref<400xi32, #tpu.memory_space<hbm>>
    %dma_wait3A_281 = tpu.memref_slice %arg3[%mul3A_271] : memref<100000xi32, #tpu.memory_space<hbm>> -> memref<400xi32, #tpu.memory_space<hbm>>
    tpu.wait_dma2 semaphore(%arg12 : memref<!tpu.dma_semaphore, #tpu.memory_space<semaphore_mem>>) src(%dma_wait3A_281 : memref<400xi32, #tpu.memory_space<hbm>>) dst(%arg8 : memref<400xi32, #tpu.memory_space<vmem>>)
    %dma_wait3A_282 = tpu.memref_slice %arg4[%mul3A_271] : memref<100000xi32, #tpu.memory_space<hbm>> -> memref<400xi32, #tpu.memory_space<hbm>>
    %dma_wait3A_283 = tpu.memref_slice %arg4[%mul3A_271] : memref<100000xi32, #tpu.memory_space<hbm>> -> memref<400xi32, #tpu.memory_space<hbm>>
    tpu.wait_dma2 semaphore(%arg12 : memref<!tpu.dma_semaphore, #tpu.memory_space<semaphore_mem>>) src(%dma_wait3A_283 : memref<400xi32, #tpu.memory_space<hbm>>) dst(%arg9 : memref<400xi32, #tpu.memory_space<vmem>>)
    %scan3A_284 = arith.constant 0 : i32
    %scan3A_285 = arith.constant 0 : i32
    %scan3A_286 = arith.constant 25 : i32
    %scan3A_287 = arith.addi %scan3A_285, %scan3A_286 : i32
    %scan3A_288 = arith.constant 1 : i32
    %scan3A_289 = scf.for %scan3A_309 = %scan3A_285 to %scan3A_287 step %scan3A_288 iter_args(%scan3A_310 = %scan3A_284) -> (i32)  : i32 {
      %mul3A_311 = arith.constant 16 : i32
      %mul3A_312 = arith.muli %scan3A_309, %mul3A_311 : i32
      %get3A = arith.index_cast %mul3A_312 : i32 to index
      %get3A_313 = tpu.vector_load %arg7[%get3A] {strides = array<i32>} : memref<400xi32, #tpu.memory_space<vmem>>, vector<16xi32>,
      %get3A_314 = vector.shape_cast %get3A_313 : vector<16xi32> to vector<16xi32>
      %mul3A_315 = arith.constant 176 : i32
      %mul3A_316 = vector.broadcast %mul3A_315 : i32 to vector<16xi32>
      %mul3A_317 = arith.muli %get3A_314, %mul3A_316 : vector<16xi32>
      %get3A_318 = arith.index_cast %mul3A_312 : i32 to index
      %get3A_319 = tpu.vector_load %arg8[%get3A_318] {strides = array<i32>} : memref<400xi32, #tpu.memory_space<vmem>>, vector<16xi32>,
      %get3A_320 = vector.shape_cast %get3A_319 : vector<16xi32> to vector<16xi32>
      %mul3A_321 = arith.constant 8 : i32
      %mul3A_322 = vector.broadcast %mul3A_321 : i32 to vector<16xi32>
      %mul3A_323 = arith.muli %get3A_320, %mul3A_322 : vector<16xi32>
      %add3A_324 = arith.addi %mul3A_317, %mul3A_323 : vector<16xi32>
      %get3A_325 = arith.index_cast %mul3A_312 : i32 to index
      %get3A_326 = tpu.vector_load %arg9[%get3A_325] {strides = array<i32>} : memref<400xi32, #tpu.memory_space<vmem>>, vector<16xi32>,
      %get3A_327 = vector.shape_cast %get3A_326 : vector<16xi32> to vector<16xi32>
      %add3A_328 = arith.addi %add3A_324, %get3A_327 : vector<16xi32>
      %swap3A = arith.index_cast %mul3A_312 : i32 to index
      %swap3A_329 = tpu.vector_load %arg7[%swap3A] {strides = array<i32>} : memref<400xi32, #tpu.memory_space<vmem>>, vector<16xi32>,
      %swap3A_330 = vector.shape_cast %swap3A_329 : vector<16xi32> to vector<16xi32>
      %swap3A_331 = vector.shape_cast %add3A_328 : vector<16xi32> to vector<16xi32>
      tpu.vector_store %arg7[%swap3A], %swap3A_331 {strides = array<i32>} : memref<400xi32, #tpu.memory_space<vmem>>, vector<16xi32>,
      %scan3A_332 = arith.constant 0 : i32
      scf.yield %scan3A_332 : i32
    }
    %scan3A_290 = arith.constant 25 : i32
    %dma_start3A_291 = arith.constant 0 : i32
    %dma_start3A_292 = arith.constant 0 : i32
    %dma_start3A_293 = tpu.memref_slice %arg5[%dma_start3A_291, %dma_start3A_292] : memref<7744x128xf32, #tpu.memory_space<hbm>> -> memref<7744x128xf32, #tpu.memory_space<hbm>>
    tpu.enqueue_indirect_dma source(%dma_start3A_293 : memref<7744x128xf32, #tpu.memory_space<hbm>>) target(%arg11 : memref<400x128xf32, #tpu.memory_space<vmem>>) offsets(%arg7 : memref<400xi32, #tpu.memory_space<vmem>>) semaphore(%arg13 : memref<!tpu.dma_semaphore, #tpu.memory_space<semaphore_mem>>)
    %dma_wait3A_294 = arith.constant 0 : i32
    %dma_wait3A_295 = arith.constant 0 : i32
    %dma_wait3A_296 = tpu.memref_slice %arg5[%dma_wait3A_294, %dma_wait3A_295] : memref<7744x128xf32, #tpu.memory_space<hbm>> -> memref<7744x128xf32, #tpu.memory_space<hbm>>
    tpu.wait_indirect_dma semaphore(%arg13 : memref<!tpu.dma_semaphore, #tpu.memory_space<semaphore_mem>>) src(%dma_wait3A_296 : memref<7744x128xf32, #tpu.memory_space<hbm>>) dst(%arg11 : memref<400x128xf32, #tpu.memory_space<vmem>>)
    %dma_start3A_297 = arith.constant 0 : i32
    %dma_start3A_298 = tpu.memref_slice %arg6[%mul3A_271, %dma_start3A_297] : memref<100000x128xf32, #tpu.memory_space<hbm>> -> memref<400x128xf32, #tpu.memory_space<hbm>>
    %dma_start3A_299 = arith.constant 0 : i32
    %dma_start3A_300 = tpu.memref_slice %arg6[%mul3A_271, %dma_start3A_299] : memref<100000x128xf32, #tpu.memory_space<hbm>> -> memref<400x128xf32, #tpu.memory_space<hbm>>
    tpu.enqueue_dma source(%arg11 : memref<400x128xf32, #tpu.memory_space<vmem>>) target(%dma_start3A_300 : memref<400x128xf32, #tpu.memory_space<hbm>>) target_semaphore(%arg15 : memref<!tpu.dma_semaphore, #tpu.memory_space<semaphore_mem>>)
    %dma_wait3A_301 = arith.constant 0 : i32
    %dma_wait3A_302 = tpu.memref_slice %arg6[%mul3A_232, %dma_wait3A_301] : memref<100000x128xf32, #tpu.memory_space<hbm>> -> memref<400x128xf32, #tpu.memory_space<hbm>>
    %dma_wait3A_303 = arith.constant 0 : i32
    %dma_wait3A_304 = tpu.memref_slice %arg6[%mul3A_232, %dma_wait3A_303] : memref<100000x128xf32, #tpu.memory_space<hbm>> -> memref<400x128xf32, #tpu.memory_space<hbm>>
    tpu.wait_dma2 semaphore(%arg14 : memref<!tpu.dma_semaphore, #tpu.memory_space<semaphore_mem>>) src(%arg10 : memref<400x128xf32, #tpu.memory_space<vmem>>) dst(%dma_wait3A_304 : memref<400x128xf32, #tpu.memory_space<hbm>>)
    %dma_wait3A_305 = arith.constant 0 : i32
    %dma_wait3A_306 = tpu.memref_slice %arg6[%mul3A_271, %dma_wait3A_305] : memref<100000x128xf32, #tpu.memory_space<hbm>> -> memref<400x128xf32, #tpu.memory_space<hbm>>
    %dma_wait3A_307 = arith.constant 0 : i32
    %dma_wait3A_308 = tpu.memref_slice %arg6[%mul3A_271, %dma_wait3A_307] : memref<100000x128xf32, #tpu.memory_space<hbm>> -> memref<400x128xf32, #tpu.memory_space<hbm>>
    tpu.wait_dma2 semaphore(%arg15 : memref<!tpu.dma_semaphore, #tpu.memory_space<semaphore_mem>>) src(%arg11 : memref<400x128xf32, #tpu.memory_space<vmem>>) dst(%dma_wait3A_308 : memref<400x128xf32, #tpu.memory_space<hbm>>)
    return
  }
}

module attributes {stable_mosaic.version = 14 : i64} {
  func.func @_concat_tc(%arg0: i32, %arg1: memref<1024x8x128xf32, #tpu.memory_space<vmem>>, %arg2: memref<32x8192xf32, #tpu.memory_space<vmem>>, %arg3: memref<64x8192xf32, #tpu.memory_space<vmem>>) attributes {dimension_semantics = [#tpu.dimension_semantics<arbitrary>], iteration_bounds = array<i64: 13>, scalar_prefetch = 0 : i64, scratch_operands = 0 : i64, tpu.core_type = #tpu.core_type<tc>, window_params = [{transform_indices = @transform_0, window_bounds = array<i64: 1024, 8, 128>}, {transform_indices = @transform_1, window_bounds = array<i64: 32, 8192>}, {transform_indices = @transform_2, window_bounds = array<i64: 64, 8192>}]} {
    %get3A = arith.constant 0 : index
    %get3A_0 = arith.constant 0 : index
    %get3A_1 = arith.constant 0 : index
    %get3A_2 = vector.load %arg1[%get3A, %get3A_0, %get3A_1] : memref<1024x8x128xf32, #tpu.memory_space<vmem>>, vector<1024x8x128xf32>
    %reshape3A = vector.shape_cast %get3A_2 : vector<1024x8x128xf32> to vector<8192x128xf32>
    %slice3A = vector.extract_strided_slice %reshape3A {offsets = [0, 0], sizes = [8192, 32], strides = [1, 1]} : vector<8192x128xf32> to vector<8192x32xf32>
    %transpose3A = tpu.transpose %slice3A, [1, 0] : vector<8192x32xf32> -> vector<32x8192xf32>
    %swap3A = arith.constant 0 : index
    %swap3A_3 = arith.constant 0 : index
    %swap3A_4 = vector.load %arg3[%swap3A, %swap3A_3] : memref<64x8192xf32, #tpu.memory_space<vmem>>, vector<32x8192xf32>
    tpu.vector_store %arg3[%swap3A, %swap3A_3], %transpose3A {strides = array<i32>} : memref<64x8192xf32, #tpu.memory_space<vmem>>, vector<32x8192xf32>,
    %get3A_5 = arith.constant 0 : index
    %get3A_6 = arith.constant 0 : index
    %get3A_7 = vector.load %arg2[%get3A_5, %get3A_6] : memref<32x8192xf32, #tpu.memory_space<vmem>>, vector<32x8192xf32>
    %swap3A_8 = arith.constant 32 : index
    %swap3A_9 = arith.constant 0 : index
    %swap3A_10 = vector.load %arg3[%swap3A_8, %swap3A_9] : memref<64x8192xf32, #tpu.memory_space<vmem>>, vector<32x8192xf32>
    tpu.vector_store %arg3[%swap3A_8, %swap3A_9], %get3A_7 {strides = array<i32>} : memref<64x8192xf32, #tpu.memory_space<vmem>>, vector<32x8192xf32>,
    return
  }
  func.func @transform_0(%arg0: i32) -> (i32, i32, i32) {
    %c0_i32 = arith.constant 0 : i32
    %c0_i32_0 = arith.constant 0 : i32
    %c0_i32_1 = arith.constant 0 : i32
    return %arg0, %c0_i32, %c0_i32_0 : i32, i32, i32
  }
  func.func @transform_1(%arg0: i32) -> (i32, i32) {
    %c0_i32 = arith.constant 0 : i32
    %c0_i32_0 = arith.constant 0 : i32
    return %c0_i32, %arg0 : i32, i32
  }
  func.func @transform_2(%arg0: i32) -> (i32, i32) {
    %c0_i32 = arith.constant 0 : i32
    %c0_i32_0 = arith.constant 0 : i32
    return %c0_i32, %arg0 : i32, i32
  }
}

</mosaic_0001>

<sc_bundles>
// kernel: kernel.4.cloned.1.call-start
scs
__scs_entry_jumppad:
0x0: {  	(pc) =	sbr.rel $0x88, $3  }
0x1: {  	(tag) =	ssettag $0x0;
	lr =	simm.s32 $0x1  }
0x2: {  	[smem:$0x3F9A] =	sst lr;
	_ =	strace $0xD0000000  }
0x3: {  	_ = 	snop  }
0x4: {  	_ = 	snop  }
0x5: {  	_ = 	snop  }
0x6: {  	_ = 	snop  }
0x7: {  	_ = 	snop  }
__scs_overlays_trampoline_lowered:
0x8: {  	[smem:$0x3FA9] =	sst s0  }
0x9: {  	[smem:$0x3FAA] =	sst s1  }
0xa: {  	[smem:$0x3FAB] =	sst s2  }
0xb: {  	[smem:$0x3FAC] =	sst s3  }
0xc: {  	[smem:$0x3FAD] =	sst s4  }
0xd: {  	[smem:$0x3FAE] =	sst s5  }
0xe: {  	[smem:$0x3FAF] =	sst s6  }
0xf: {  	[smem:$0x3FB0] =	sst s7  }
0x10: {  	[smem:$0x3FB1] =	sst s8  }
0x11: {  	[smem:$0x3FB2] =	sst s9;
	s0 =	simm.s32 @!p0 $0x0  }
0x12: {  	s1 =	sld [smem:$0x3F98];
	s0 =	simm.s32 @p0 $0x1  }
0x13: {  	[smem:$0x3FB3] =	sst s0;
	s0 =	simm.s32 @!p1 $0x0  }
0x14: {  	s2 =	sld [smem:$0x3F97];
	s0 =	simm.s32 @p1 $0x1  }
0x15: {  	[smem:$0x3FB4] =	sst s0;
	s0 =	simm.s32 @!p2 $0x0  }
0x16: {  	s3 =	sld [smem:$0x3FDB];
	s0 =	simm.s32 @p2 $0x1  }
0x17: {  	s4 =	simm.s32 $0x1BF5;
	[smem:$0x3FB6] =	sst s0  }
0x18: {  	s0 =	sld [smem:$0x3F99];
	_ =	swait.ge [sflag:s4], $0x0  }
0x19: {  	s7 =	sld [smem:$0x3F9A]  }
0x1a: {  	s8 =	sadd.s32 $0xFFFFE003, lr  }
0x1b: {  	s9 =	sadd.s32 $0xFFFFFEF7, lr;
	s5 =	simm.s32 $0xFFFFFFFF;
	p2 =	slt.u32 s8, $0xFFFFF086  }
0x1c: {  	p1 =	slt.u32 s9, $0xF7A;
	s5 =	simm.s32 @!p2 $0x0  }
0x1d: {  	s5 =	simm.s32 @p1 $0x1;
	p0 =	seq.s32 s7, s2  }
0x1e: {  	s7 =	smul.u32 @!p0 $0xF7A, s2;
	p2 =	seq.s32 @!p0 s5, $0x0  }
0x1f: {  	s9 =	smul.u32 $0xF7A, s1;
	s8 =	simm.s32 @!p0 $0x1BF5;
	p2 =	por !p2, p0  }
0x20: {  	[sflag:s8] =	ssyncset.s32 @!p0 $0xFFFFF086;
	s6 =	sadd.s32 @!p0 s3, s7;
	s7 =	simm.s32 @!p0 $0x108  }
0x21: {  	s3 =	sadd.s32 s3, s9;
	s6 =	sadd.s32 @!p0 $0x88, s6;
	s7 =	simm.s32 @p2 $0x1082  }
0x22: {  	[simem:s7], [sflag:s8] =	dma.local @!p0 [hbm:s6], $0xF7A  }
0x23: {  	s9 =	sor.u32 $0xD0000000, s2;
	s6 =	simm.s32 $0x108;
	_ =	swait.ge @!p0 [sflag:s8], $0x0  }
0x24: {  	s3 =	sadd.s32 $0x88, s3;
	s6 =	simm.s32 @!p1 $0x1082;
	[sflag:s4] =	ssyncset.s32 $0xFFFFF086  }
0x25: {  	[simem:s6], [sflag:s4] =	dma.local [hbm:s3], $0xF7A  }
0x26: {  	[smem:$0x3F9A] =	sst s1;
	(tag) =	ssettag s2;
	_ =	strace s9  }
0x27: {  	s1 =	sld [smem:$0x3FAA]  }
0x28: {  	s2 =	sld [smem:$0x3FAB]  }
0x29: {  	s4 =	sld [smem:$0x3FAD]  }
0x2a: {  	p0 =	seq.s32 s5, $0x0;
	s5 =	sld [smem:$0x3FAE]  }
0x2b: {  	s6 =	sld [smem:$0x3FAF]  }
0x2c: {  	s7 =	sld [smem:$0x3FB0]  }
0x2d: {  	s3 =	simm.s32 $0x108;
	s8 =	sld [smem:$0x3FB1]  }
0x2e: {  	s3 =	simm.s32 @!p0 $0x1082;
	s9 =	sld [smem:$0x3FB2]  }
0x2f: {  	lr =	sadd.s32 s0, s3;
	s0 =	sld [smem:$0x3FA9]  }
0x30: {  	s3 =	sld [smem:$0x3FAC]  }
0x31: {  	[smem:$0x3FB5] =	sst s10  }
0x32: {  	s10 =	sld [smem:$0x3FB3];
	_ =	sdelay $0x3  }
0x33: {  	p0 =	seq.s32 s10, $0x1;
	s10 =	sld [smem:$0x3FB5];
	_ =	sdelay $0x3  }
0x34: {  	[smem:$0x3FB5] =	sst s10  }
0x35: {  	s10 =	sld [smem:$0x3FB4];
	_ =	sdelay $0x3  }
0x36: {  	p1 =	seq.s32 s10, $0x1;
	s10 =	sld [smem:$0x3FB5];
	_ =	sdelay $0x3  }
0x37: {  	[smem:$0x3FB5] =	sst s10  }
0x38: {  	s10 =	sld [smem:$0x3FB6]  }
0x39: {  	_ = 	snop;
	(pc) =	sbr.ind lr, $3  }
0x3a: {  	_ = 	snop  }
0x3b: {  	_ = 	snop  }
0x3c: {  	p2 =	seq.s32 s10, $0x1;
	s10 =	sld [smem:$0x3FB5]  }
0x3d: {  	_ =	shalt  }
0x3e: {  	_ =	shalt  }
0x3f: {  	_ =	shalt  }
0x40: {  	_ =	shalt  }
0x41: {  	_ =	shalt  }
0x42: {  	_ =	shalt  }
0x43: {  	_ =	shalt  }
0x44: {  	_ =	shalt  }
0x45: {  	_ =	shalt  }
0x46: {  	_ =	shalt  }
0x47: {  	_ =	shalt  }
0x48: {  	_ =	shalt  }
0x49: {  	_ =	shalt  }
0x4a: {  	_ =	shalt  }
0x4b: {  	_ =	shalt  }
0x4c: {  	_ =	shalt  }
0x4d: {  	_ =	shalt  }
0x4e: {  	_ =	shalt  }
0x4f: {  	_ =	shalt  }
0x50: {  	_ =	shalt  }
0x51: {  	_ =	shalt  }
0x52: {  	_ =	shalt  }
0x53: {  	_ =	shalt  }
0x54: {  	_ =	shalt  }
0x55: {  	_ =	shalt  }
0x56: {  	_ =	shalt  }
0x57: {  	_ =	shalt  }
0x58: {  	_ =	shalt  }
0x59: {  	_ =	shalt  }
0x5a: {  	_ =	shalt  }
0x5b: {  	_ =	shalt  }
0x5c: {  	_ =	shalt  }
0x5d: {  	_ =	shalt  }
0x5e: {  	_ =	shalt  }
0x5f: {  	_ =	shalt  }
0x60: {  	_ =	shalt  }
0x61: {  	_ =	shalt  }
0x62: {  	_ =	shalt  }
0x63: {  	_ =	shalt  }
0x64: {  	_ =	shalt  }
0x65: {  	_ =	shalt  }
0x66: {  	_ =	shalt  }
0x67: {  	_ =	shalt  }
0x68: {  	_ =	shalt  }
0x69: {  	_ =	shalt  }
0x6a: {  	_ =	shalt  }
0x6b: {  	_ =	shalt  }
0x6c: {  	_ =	shalt  }
0x6d: {  	_ =	shalt  }
0x6e: {  	_ =	shalt  }
0x6f: {  	_ =	shalt  }
0x70: {  	_ =	shalt  }
0x71: {  	_ =	shalt  }
0x72: {  	_ =	shalt  }
0x73: {  	_ =	shalt  }
0x74: {  	_ =	shalt  }
0x75: {  	_ =	shalt  }
0x76: {  	_ =	shalt  }
0x77: {  	_ =	shalt  }
0x78: {  	_ =	shalt  }
0x79: {  	_ =	shalt  }
0x7a: {  	_ =	shalt  }
0x7b: {  	_ =	shalt  }
0x7c: {  	_ =	shalt  }
0x7d: {  	_ =	shalt  }
0x7e: {  	_ =	shalt  }
0x7f: {  	_ =	shalt  }
0x80: {  	_ =	shalt  }
0x81: {  	_ =	shalt  }
0x82: {  	_ =	shalt  }
0x83: {  	_ =	shalt  }
0x84: {  	_ =	shalt  }
0x85: {  	_ =	shalt  }
0x86: {  	_ =	shalt  }
0x87: {  	_ =	shalt  }
.Lfunc_end0:
.L_simem_size_0:
called_computation_lowered:
.L_overlay_start_0:
0x88: {  	s2 =	sld [smem:$0x3FD9]  }
0x89: {  	s3 =	sld [smem:$0x3FFE];
	_ =	sdelay $0x1  }
0x8a: {  	s1 =	srdreg.scid  }
0x8b: {  	s0 =	sand.u32 $0x1, s1  }
0x8c: {  	s17 =	sshll.u32 s0, $0xA;
	s2 =	sadd.s32 s3, s2  }
0x8d: {  	s2 =	sadd.s32 s2, s17  }
0x8e: {  	[smem:$0x3FC1] =	sst s2  }
0x8f: {  	_ = 	snop  }
0x90: {  	s2 =	sld [smem:$0x3FC9]  }
0x91: {  	s18 =	sld [smem:$0x3FC8]  }
0x92: {  	s4 =	sld [smem:$0x3FC7]  }
0x93: {  	s5 =	sld [smem:$0x3FD0];
	(tm) =	ssettm $0x1  }
0x94: {  	s6 =	sld [smem:$0x3FFB];
	_ =	sdelay $0x3  }
0x95: {  	_ =	strace s6  }
0x96: {  	s6 =	sld [smem:$0x3FFC];
	_ =	sdelay $0x3  }
0x97: {  	_ =	strace s6  }
0x98: {  	s6 =	sld [smem:$0x3FFD];
	_ =	sdelay $0x3  }
0x99: {  	_ =	strace s6  }
0x9a: {  	_ =	strace $0x8FFFFFFF  }
0x9b: {  	s19 =	sld [smem:$0x3FDB];
	_ =	sdelay $0x1  }
0x9c: {  	s7 =	simm.s32 $_scs_section_size  }
0x9d: {  	s8 =	simm.s32 $_size__tile_overlayer_lowered;
	s9 =	simm.s32 $_tile_overlayer_lowered  }
0x9e: {  	s22 =	simm.s32 $0x1BFF;
	s21 =	sshll.u32 s9, $0x1;
	s6 =	sadd.s32 s7, s19  }
0x9f: {  	s10 =	simm.s32 $0x0;
	s20 =	sshll.u32 s8, $0x1;
	s8 =	sadd.s32 s21, s6  }
0xa0: {  	[timem:s10], [sflag:s22] =	dma.local [hbm:s8], s20  }
0xa1: {  	_ =	swait.ge [sflag:s22], s20  }
0xa2: {  	s7 =	ssub.s32 $0x0, s20;
	[sflag:s22] =	ssyncset.done $0x0  }
0xa3: {  	[sflag:s22] =	ssyncadd.s32 s7;
	_ =	sdelay $0x1  }
0xa4: {  	s23 =	simm.s32 $0x1B8B  }
0xa5: {  	_ =	swait.ge [sflag:s23], $0x1  }
0xa6: {  	[sflag:s23] =	ssyncset.done $0x0  }
0xa7: {  	s25 =	simm.s32 $0x1B8E;
	s24 =	sld [smem:$0x3FFE];
	[sflag:s23] =	ssyncadd.s32 $0xFFFFFFFF  }
0xa8: {  	s26 =	simm.s32 $execute0_lowered;
	[smem:$0x3FD2] =	sst s25  }
0xa9: {  	s8 =	sshll.u32 s26, $0x1;
	_ =	strace $0x80000046;
	[dreg:$0x1] =	wrdreg $0xFFFFFFFF  }
0xaa: {  	s28 =	simm.s32 $_size_execute0_lowered;
	s6 =	sadd.s32 s6, s8;
	[dreg:$0x0] =	wrdreg $0x0  }
0xab: {  	s8 =	sshll.u32 s28, $0x1;
	[dreg:$0x2] =	wrdreg s6  }
0xac: {  	[dreg:$0x3] =	wrdreg s8  }
0xad: {  	[dreg:$0x4] =	wrdreg $0xC0  }
0xae: {  	_ =	task [dreg:s10], $0x5FFFF  }
0xaf: {  	[dreg:$0x1] =	wrdreg $0xFFFFFFFF  }
0xb0: {  	[dreg:$0x0] =	wrdreg $0x60  }
0xb1: {  	[dreg:$0x2] =	wrdreg s2  }
0xb2: {  	[dreg:$0x3] =	wrdreg s18  }
0xb3: {  	[dreg:$0x4] =	wrdreg s4  }
0xb4: {  	[dreg:$0x5] =	wrdreg s5  }
0xb5: {  	[dreg:$0x6] =	wrdreg s24  }
0xb6: {  	[dreg:$0x7] =	wrdreg $0x9  }
0xb7: {  	_ =	task.clear_ibuf [dreg:s10], $0x8FFFF;
	_ =	strace $0x90000046  }
0xb8: {  	s29 =	simm.s32 $0x9;
	_ =	strace $0x80000048  }
0xb9: {  	_ =	swait.ge [sflag:s29], $0x1  }
0xba: {  	[sflag:s29] =	ssyncadd.s32 $0xFFFFFFFF  }
0xbb: {  	_ =	strace $0x90000048  }
0xbc: {  	_ =	sfence  }
0xbd: {  	s30 =	sld [smem:$0x0];
	_ =	sdelay $0x2  }
0xbe: {  	s31 =	sshll.u32 s1, $0xD;
	s1 =	sshrl.u32 s1, $0x2  }
0xbf: {  	s3 =	sand.u32 $0x4000, s31;
	s1 =	sadd.s32 s1, s30  }
0xc0: {  	s0 =	sor.u32 s3, s0;
	s1 =	sshll.u32 s1, $0x11  }
0xc1: {  	s0 =	sor.u32 s1, s0  }
0xc2: {  	s0 =	sadd.s32 $0x8F2B, s0  }
0xc3: {  	[sflag:s0] =	ssyncadd.remote.s32 $0x1  }
0xc4: {  	_ =	sfence.sel $0xFFFF  }
0xc5: {  	[dreg:$0x0] =	wrdreg $0xFFFFFFFF;
	(pc) =	sbr.abs _section_cstart, $3  }
0xc6: {  	[dreg:$0x1] =	wrdreg $0xFFFFFFFF  }
0xc7: {  	_ =	task.clear_ibuf [dreg:s10], $0x2FFFF;
	_ =	strace $0x9FFFFFFF  }
0xc8: {  	(tm) =	ssettm $0x7FFFFFFF  }
0xc9: {  	_ =	shalt  }
tec
execute0_lowered:
.L_overlay_start_1:
0x0: {  	(tag) =	ssettag $0x1  }
0x1: {  	s0 =	srdreg.scid;
	s1 =	stileid.u32  }
0x2: {  	s0 =	sand.u32 $0x1, s0;
	s1 =	sshll.u32 s1, $0x1  }
0x3: {  	s3 =	ssub.s32 $0x2, s0;
	s0 =	sor.u32 s0, s1  }
0x4: {  	s4 =	sshrl.u32 s3, $0x1;
	s5 =	smul.u32 $0x32, s0  }
0x5: {  	s7 =	sor.u32 $0x20, s0;
	s4 =	ssub.s32 s3, s4;
	s3 =	smul.u32 $0x1900, s0  }
0x6: {  	s2 =	rddreg [dreg:$0x0];
	s9 =	sor.u32 $0x40, s0;
	s19 =	smul.u32 $0x32, s7  }
0x7: {  	s6 =	rddreg [dreg:$0x2];
	s10 =	sor.u32 $0x60, s0;
	s20 =	smul.u32 $0x32, s9  }
0x8: {  	s1 =	rddreg [dreg:$0x1];
	s15 =	sor.u32 $0xA0, s0;
	s22 =	smul.u32 $0x32, s10  }
0x9: {  	s12 =	smin.u32 s0, $0x19;
	s7 =	smul.u32 $0x1900, s7;
	s18 =	sadd.s32 s2, s5  }
0xa: {  	s12 =	sor.u32 $0xE0, s12;
	s8 =	sadd.s32 s1, s5;
	[dreg:$0x6] =	wrdreg s18  }
0xb: {  	s13 =	smul.u32 $0x32, s15;
	s5 =	sadd.s32 s6, s5;
	[dreg:$0x7] =	wrdreg s8  }
0xc: {  	s4 =	smax.u32 s4, $0x1;
	[dreg:$0x8] =	wrdreg s5;
	s11 =	sadd.s32 s2, s19  }
0xd: {  	s21 =	sadd.s32 s1, s19;
	s8 =	sadd.s32 s6, s19;
	[dreg:$0x9] =	wrdreg s11  }
0xe: {  	s23 =	sadd.s32 s2, s20;
	s24 =	sadd.s32 s1, s20;
	[dreg:$0xa] =	wrdreg s21  }
0xf: {  	s5 =	sadd.s32 s6, s20;
	s25 =	sadd.s32 s2, s22;
	[dreg:$0xb] =	wrdreg s8  }
0x10: {  	s16 =	sadd.s32 s2, s13;
	s17 =	sadd.s32 s1, s13;
	[dreg:$0xc] =	wrdreg s23  }
0x11: {  	s18 =	sadd.s32 s6, s13;
	s13 =	smul.u32 $0x1900, s15;
	[dreg:$0xd] =	wrdreg s24  }
0x12: {  	s26 =	sadd.s32 s1, s22;
	s15 =	smul.u32 $0x1900, s12;
	[dreg:$0xe] =	wrdreg s5  }
0x13: {  	[dreg:$0x10] =	wrdreg s26;
	s5 =	sor.u32 $0x80, s0;
	s26 =	smul.u32 $0x32, s12  }
0x14: {  	[dreg:$0xf] =	wrdreg s25;
	s0 =	sor.u32 $0xC0, s0;
	s11 =	smul.u32 $0x32, s5  }
0x15: {  	s8 =	sadd.s32 s6, s22;
	s12 =	simm.s32 $0x4;
	s25 =	smul.u32 $0x32, s0  }
0x16: {  	[dreg:$0x11] =	wrdreg s8;
	s5 =	smul.u32 $0x1900, s5;
	s22 =	sadd.s32 s2, s26  }
0x17: {  	s23 =	sadd.s32 s1, s26;
	s14 =	sadd.s32 s2, s11;
	s24 =	sadd.s32 s1, s11  }
0x18: {  	s8 =	sadd.s32 s6, s11;
	s19 =	sadd.s32 s2, s25;
	[dreg:$0x12] =	wrdreg s14  }
0x19: {  	s20 =	sadd.s32 s1, s25;
	s21 =	sadd.s32 s6, s25;
	[dreg:$0x13] =	wrdreg s24  }
0x1a: {  	s25 =	simm.s32 $0x0;
	[dreg:$0x14] =	wrdreg s8;
	s8 =	smul.u32 $0x1900, s9  }
0x1b: {  	s11 =	simm.s32 $0x3;
	s9 =	smul.u32 $0x1900, s10;
	s10 =	rddreg [dreg:$0x4]  }
0x1c: {  	s24 =	sadd.s32 s6, s26;
	[smem:$0x7FF] =	sst s25;
	s14 =	smul.u32 $0x1900, s0  }
0x1d: {  	s0 =	rddreg [dreg:$0x3];
	s6 =	sadd.s32 $0x1600, s10;
	_ =	strace $0x80000047  }
0x1e: {  	s10 =	simm.s32 $0xCCB0;
	s26 =	sadd.s32 s6, s3;
	s28 =	sadd.s32 s6, s7  }
0x1f: {  	s29 =	sadd.s32 s6, s8;
	s30 =	sadd.s32 s6, s9;
	s31 =	sadd.s32 s6, s5  }
0x20: {  	s1 =	sadd.s32 s6, s13;
	s2 =	sadd.s32 s6, s14;
	s3 =	sadd.s32 s6, s15  }
0x21: {  	s5 =	simm.s32 $0x190;
	s6 =	simm.s32 $0x320;
	s7 =	simm.s32 $0x1  }
0x22: {  	s8 =	simm.s32 $0x4B0;
	s9 =	simm.s32 $0x2;
	s13 =	simm.s32 $0x0  }
.LBB2_1:
0x23: {  	s14 =	rddreg [dreg:$0x6]  }
0x24: {  	[tilespmem:s25], [sflag:$0x1] =	stream.linear.gather [hbm4b:s14+s25], $0x190, $0x38;
	[tilespmem:$0x194B0] =	vst v63  }
0x25: {  	s15 =	rddreg [dreg:$0x7]  }
0x26: {  	[tilespmem:s5], [sflag:$0x1] =	stream.linear.gather [hbm4b:s15+s25], $0x190, $0x38;
	[tilespmem:$0x194B0] =	vst v63  }
0x27: {  	s15 =	rddreg [dreg:$0x8]  }
0x28: {  	[tilespmem:s6], [sflag:$0x1] =	stream.linear.gather [hbm4b:s15+s25], $0x190, $0x38;
	[tilespmem:$0x194B0] =	vst v63  }
0x29: {  	_ =	swait.ge [sflag:s7], $0x190  }
0x2a: {  	[sflag:s7] =	ssyncset.done $0x0  }
0x2b: {  	[sflag:s7] =	ssyncadd.s32 $0xFFFFFE70  }
0x2c: {  	_ =	swait.ge [sflag:s7], $0x190  }
0x2d: {  	[sflag:s7] =	ssyncset.done $0x0  }
0x2e: {  	[sflag:s7] =	ssyncadd.s32 $0xFFFFFE70  }
0x2f: {  	_ =	swait.ge [sflag:s7], $0x190  }
0x30: {  	[sflag:s7] =	ssyncset.done $0x0  }
0x31: {  	s14 =	simm.s32 $0x0;
	s15 =	simm.s32 $0x40;
	[sflag:s7] =	ssyncadd.s32 $0xFFFFFE70  }
.LBB2_2:
0x32: {  	p0 =	sne.s32 s15, $0x600;
	v0 =	vld [tilespmem:s14+$0x0]  }
0x33: {  	v1 =	vld [tilespmem:s14+$0x190];
	_ =	sdelay $0x1  }
0x34: {  	v2 =	vld [tilespmem:s14+$0x320];
	_ =	sdelay $0x1  }
.Ltmp0:
0x35: {  	v0 =	vmul.u32 $0xB0, v0;
	(pc) =	sbr.rel @p0 .LBB2_2-.Ltmp0, $4  }
0x36: {  	v1 =	vshll.u32 v1, $0x3  }
0x37: {  	v0 =	vadd.s32 v0, v1  }
0x38: {  	v0 =	vadd.s32 v2, v0  }
0x39: {  	[tilespmem:s14+$0x0] =	vst v0;
	s14 =	sshra.s32 s15, $0x2;
	s15 =	sadd.s32 $0x40, s15  }
0x3a: {  	v0 =	vld [tilespmem:s14+$0x0]  }
0x3b: {  	v1 =	vld [tilespmem:s14+$0x190];
	_ =	sdelay $0x1  }
0x3c: {  	v2 =	vld [tilespmem:s14+$0x320];
	_ =	sdelay $0x1  }
0x3d: {  	v0 =	vmul.u32 $0xB0, v0  }
0x3e: {  	v1 =	vshll.u32 v1, $0x3  }
0x3f: {  	v0 =	vadd.s32 v0, v1  }
0x40: {  	v0 =	vadd.s32 v2, v0  }
0x41: {  	[tilespmem:s14+$0x0] =	vst v0;
	s14 =	simm.s32 $0x0  }
0x42: {  	[tilespmem:s8], [sflag:$0x2] =	stream.indirect.gather [hbm4b:s0+s5], $0x80, s14, s5, $0xb8;
	[tilespmem:$0x194B0] =	vst v63  }
0x43: {  	_ =	swait.ge [sflag:s9], $0xC800  }
0x44: {  	[sflag:s9] =	ssyncset.done $0x0  }
0x45: {  	[sflag:s9] =	ssyncadd.s32 $0xFFFF3800  }
0x46: {  	[hbm4b:s26+s14] =	stream.linear.scatter [tilespmem:s8], [sflag:$0x3], $0xC800, $0x38;
	[tilespmem:$0x194B0] =	vst v63  }
0x47: {  	s15 =	rddreg [dreg:$0x9]  }
0x48: {  	[tilespmem:s14], [sflag:$0x1] =	stream.linear.gather [hbm4b:s15+s14], $0x190, $0x38;
	[tilespmem:$0x194B0] =	vst v63  }
0x49: {  	s15 =	rddreg [dreg:$0xa]  }
0x4a: {  	[tilespmem:s5], [sflag:$0x1] =	stream.linear.gather [hbm4b:s15+s14], $0x190, $0x38;
	[tilespmem:$0x194B0] =	vst v63  }
0x4b: {  	s15 =	rddreg [dreg:$0xb]  }
0x4c: {  	[tilespmem:s6], [sflag:$0x1] =	stream.linear.gather [hbm4b:s15+s14], $0x190, $0x38;
	[tilespmem:$0x194B0] =	vst v63  }
0x4d: {  	_ =	swait.ge [sflag:s7], $0x190  }
0x4e: {  	[sflag:s7] =	ssyncset.done $0x0  }
0x4f: {  	[sflag:s7] =	ssyncadd.s32 $0xFFFFFE70  }
0x50: {  	_ =	swait.ge [sflag:s7], $0x190  }
0x51: {  	[sflag:s7] =	ssyncset.done $0x0  }
0x52: {  	[sflag:s7] =	ssyncadd.s32 $0xFFFFFE70  }
0x53: {  	_ =	swait.ge [sflag:s7], $0x190  }
0x54: {  	[sflag:s7] =	ssyncset.done $0x0  }
0x55: {  	s14 =	simm.s32 $0x0;
	s15 =	simm.s32 $0x40;
	[sflag:s7] =	ssyncadd.s32 $0xFFFFFE70  }
.LBB2_4:
0x56: {  	p0 =	sne.s32 s15, $0x600;
	v0 =	vld [tilespmem:s14+$0x0]  }
0x57: {  	v1 =	vld [tilespmem:s14+$0x190];
	_ =	sdelay $0x1  }
0x58: {  	v2 =	vld [tilespmem:s14+$0x320];
	_ =	sdelay $0x1  }
.Ltmp1:
0x59: {  	v0 =	vmul.u32 $0xB0, v0;
	(pc) =	sbr.rel @p0 .LBB2_4-.Ltmp1, $4  }
0x5a: {  	v1 =	vshll.u32 v1, $0x3  }
0x5b: {  	v0 =	vadd.s32 v0, v1  }
0x5c: {  	v0 =	vadd.s32 v2, v0  }
0x5d: {  	[tilespmem:s14+$0x0] =	vst v0;
	s14 =	sshra.s32 s15, $0x2;
	s15 =	sadd.s32 $0x40, s15  }
0x5e: {  	v0 =	vld [tilespmem:s14+$0x0]  }
0x5f: {  	v1 =	vld [tilespmem:s14+$0x190];
	_ =	sdelay $0x1  }
0x60: {  	v2 =	vld [tilespmem:s14+$0x320];
	_ =	sdelay $0x1  }
0x61: {  	v0 =	vmul.u32 $0xB0, v0  }
0x62: {  	v1 =	vshll.u32 v1, $0x3  }
0x63: {  	v0 =	vadd.s32 v0, v1  }
0x64: {  	v0 =	vadd.s32 v2, v0  }
0x65: {  	[tilespmem:s14+$0x0] =	vst v0;
	s14 =	simm.s32 $0x0  }
0x66: {  	[tilespmem:s10], [sflag:$0x2] =	stream.indirect.gather [hbm4b:s0+s5], $0x80, s14, s5, $0xb8;
	[tilespmem:$0x194B0] =	vst v63  }
0x67: {  	_ =	swait.ge [sflag:s9], $0xC800  }
0x68: {  	[sflag:s9] =	ssyncset.done $0x0  }
0x69: {  	[sflag:s9] =	ssyncadd.s32 $0xFFFF3800  }
0x6a: {  	[hbm4b:s28+s14] =	stream.linear.scatter [tilespmem:s10], [sflag:$0x4], $0xC800, $0x38;
	[tilespmem:$0x194B0] =	vst v63  }
0x6b: {  	_ =	swait.ge [sflag:s11], $0xC800  }
0x6c: {  	[sflag:s11] =	ssyncset.done $0x0  }
0x6d: {  	s15 =	rddreg [dreg:$0xc];
	[sflag:s11] =	ssyncadd.s32 $0xFFFF3800  }
0x6e: {  	[tilespmem:s14], [sflag:$0x1] =	stream.linear.gather [hbm4b:s15+s14], $0x190, $0x38;
	[tilespmem:$0x194B0] =	vst v63  }
0x6f: {  	s15 =	rddreg [dreg:$0xd]  }
0x70: {  	[tilespmem:s5], [sflag:$0x1] =	stream.linear.gather [hbm4b:s15+s14], $0x190, $0x38;
	[tilespmem:$0x194B0] =	vst v63  }
0x71: {  	s15 =	rddreg [dreg:$0xe]  }
0x72: {  	[tilespmem:s6], [sflag:$0x1] =	stream.linear.gather [hbm4b:s15+s14], $0x190, $0x38;
	[tilespmem:$0x194B0] =	vst v63  }
0x73: {  	_ =	swait.ge [sflag:s7], $0x190  }
0x74: {  	[sflag:s7] =	ssyncset.done $0x0  }
0x75: {  	[sflag:s7] =	ssyncadd.s32 $0xFFFFFE70  }
0x76: {  	_ =	swait.ge [sflag:s7], $0x190  }
0x77: {  	[sflag:s7] =	ssyncset.done $0x0  }
0x78: {  	[sflag:s7] =	ssyncadd.s32 $0xFFFFFE70  }
0x79: {  	_ =	swait.ge [sflag:s7], $0x190  }
0x7a: {  	[sflag:s7] =	ssyncset.done $0x0  }
0x7b: {  	s14 =	simm.s32 $0x0;
	s15 =	simm.s32 $0x40;
	[sflag:s7] =	ssyncadd.s32 $0xFFFFFE70  }
.LBB2_6:
0x7c: {  	p0 =	sne.s32 s15, $0x600;
	v0 =	vld [tilespmem:s14+$0x0]  }
0x7d: {  	v1 =	vld [tilespmem:s14+$0x190];
	_ =	sdelay $0x1  }
0x7e: {  	v2 =	vld [tilespmem:s14+$0x320];
	_ =	sdelay $0x1  }
.Ltmp2:
0x7f: {  	v0 =	vmul.u32 $0xB0, v0;
	(pc) =	sbr.rel @p0 .LBB2_6-.Ltmp2, $4  }
0x80: {  	v1 =	vshll.u32 v1, $0x3  }
0x81: {  	v0 =	vadd.s32 v0, v1  }
0x82: {  	v0 =	vadd.s32 v2, v0  }
0x83: {  	[tilespmem:s14+$0x0] =	vst v0;
	s14 =	sshra.s32 s15, $0x2;
	s15 =	sadd.s32 $0x40, s15  }
0x84: {  	v0 =	vld [tilespmem:s14+$0x0]  }
0x85: {  	v1 =	vld [tilespmem:s14+$0x190];
	_ =	sdelay $0x1  }
0x86: {  	v2 =	vld [tilespmem:s14+$0x320];
	_ =	sdelay $0x1  }
0x87: {  	v0 =	vmul.u32 $0xB0, v0  }
0x88: {  	v1 =	vshll.u32 v1, $0x3  }
0x89: {  	v0 =	vadd.s32 v0, v1  }
0x8a: {  	v0 =	vadd.s32 v2, v0  }
0x8b: {  	[tilespmem:s14+$0x0] =	vst v0;
	s14 =	simm.s32 $0x0  }
0x8c: {  	[tilespmem:s8], [sflag:$0x2] =	stream.indirect.gather [hbm4b:s0+s5], $0x80, s14, s5, $0xb8;
	[tilespmem:$0x194B0] =	vst v63  }
0x8d: {  	_ =	swait.ge [sflag:s9], $0xC800  }
0x8e: {  	[sflag:s9] =	ssyncset.done $0x0  }
0x8f: {  	[sflag:s9] =	ssyncadd.s32 $0xFFFF3800  }
0x90: {  	[hbm4b:s29+s14] =	stream.linear.scatter [tilespmem:s8], [sflag:$0x3], $0xC800, $0x38;
	[tilespmem:$0x194B0] =	vst v63  }
0x91: {  	_ =	swait.ge [sflag:s12], $0xC800  }
0x92: {  	[sflag:s12] =	ssyncset.done $0x0  }
0x93: {  	s15 =	rddreg [dreg:$0xf];
	[sflag:s12] =	ssyncadd.s32 $0xFFFF3800  }
0x94: {  	[tilespmem:s14], [sflag:$0x1] =	stream.linear.gather [hbm4b:s15+s14], $0x190, $0x38;
	[tilespmem:$0x194B0] =	vst v63  }
0x95: {  	s15 =	rddreg [dreg:$0x10]  }
0x96: {  	[tilespmem:s5], [sflag:$0x1] =	stream.linear.gather [hbm4b:s15+s14], $0x190, $0x38;
	[tilespmem:$0x194B0] =	vst v63  }
0x97: {  	s15 =	rddreg [dreg:$0x11]  }
0x98: {  	[tilespmem:s6], [sflag:$0x1] =	stream.linear.gather [hbm4b:s15+s14], $0x190, $0x38;
	[tilespmem:$0x194B0] =	vst v63  }
0x99: {  	_ =	swait.ge [sflag:s7], $0x190  }
0x9a: {  	[sflag:s7] =	ssyncset.done $0x0  }
0x9b: {  	[sflag:s7] =	ssyncadd.s32 $0xFFFFFE70  }
0x9c: {  	_ =	swait.ge [sflag:s7], $0x190  }
0x9d: {  	[sflag:s7] =	ssyncset.done $0x0  }
0x9e: {  	[sflag:s7] =	ssyncadd.s32 $0xFFFFFE70  }
0x9f: {  	_ =	swait.ge [sflag:s7], $0x190  }
0xa0: {  	[sflag:s7] =	ssyncset.done $0x0  }
0xa1: {  	s14 =	simm.s32 $0x0;
	s15 =	simm.s32 $0x40;
	[sflag:s7] =	ssyncadd.s32 $0xFFFFFE70  }
.LBB2_8:
0xa2: {  	p0 =	sne.s32 s15, $0x600;
	v0 =	vld [tilespmem:s14+$0x0]  }
0xa3: {  	v1 =	vld [tilespmem:s14+$0x190];
	_ =	sdelay $0x1  }
0xa4: {  	v2 =	vld [tilespmem:s14+$0x320];
	_ =	sdelay $0x1  }
.Ltmp3:
0xa5: {  	v0 =	vmul.u32 $0xB0, v0;
	(pc) =	sbr.rel @p0 .LBB2_8-.Ltmp3, $4  }
0xa6: {  	v1 =	vshll.u32 v1, $0x3  }
0xa7: {  	v0 =	vadd.s32 v0, v1  }
0xa8: {  	v0 =	vadd.s32 v2, v0  }
0xa9: {  	[tilespmem:s14+$0x0] =	vst v0;
	s14 =	sshra.s32 s15, $0x2;
	s15 =	sadd.s32 $0x40, s15  }
0xaa: {  	v0 =	vld [tilespmem:s14+$0x0]  }
0xab: {  	v1 =	vld [tilespmem:s14+$0x190];
	_ =	sdelay $0x1  }
0xac: {  	v2 =	vld [tilespmem:s14+$0x320];
	_ =	sdelay $0x1  }
0xad: {  	v0 =	vmul.u32 $0xB0, v0  }
0xae: {  	v1 =	vshll.u32 v1, $0x3  }
0xaf: {  	v0 =	vadd.s32 v0, v1  }
0xb0: {  	v0 =	vadd.s32 v2, v0  }
0xb1: {  	[tilespmem:s14+$0x0] =	vst v0;
	s14 =	simm.s32 $0x0  }
0xb2: {  	[tilespmem:s10], [sflag:$0x2] =	stream.indirect.gather [hbm4b:s0+s5], $0x80, s14, s5, $0xb8;
	[tilespmem:$0x194B0] =	vst v63  }
0xb3: {  	_ =	swait.ge [sflag:s9], $0xC800  }
0xb4: {  	[sflag:s9] =	ssyncset.done $0x0  }
0xb5: {  	[sflag:s9] =	ssyncadd.s32 $0xFFFF3800  }
0xb6: {  	[hbm4b:s30+s14] =	stream.linear.scatter [tilespmem:s10], [sflag:$0x4], $0xC800, $0x38;
	[tilespmem:$0x194B0] =	vst v63  }
0xb7: {  	_ =	swait.ge [sflag:s11], $0xC800  }
0xb8: {  	[sflag:s11] =	ssyncset.done $0x0  }
0xb9: {  	s15 =	rddreg [dreg:$0x12];
	[sflag:s11] =	ssyncadd.s32 $0xFFFF3800  }
0xba: {  	[tilespmem:s14], [sflag:$0x1] =	stream.linear.gather [hbm4b:s15+s14], $0x190, $0x38;
	[tilespmem:$0x194B0] =	vst v63  }
0xbb: {  	s15 =	rddreg [dreg:$0x13]  }
0xbc: {  	[tilespmem:s5], [sflag:$0x1] =	stream.linear.gather [hbm4b:s15+s14], $0x190, $0x38;
	[tilespmem:$0x194B0] =	vst v63  }
0xbd: {  	s15 =	rddreg [dreg:$0x14]  }
0xbe: {  	[tilespmem:s6], [sflag:$0x1] =	stream.linear.gather [hbm4b:s15+s14], $0x190, $0x38;
	[tilespmem:$0x194B0] =	vst v63  }
0xbf: {  	_ =	swait.ge [sflag:s7], $0x190  }
0xc0: {  	[sflag:s7] =	ssyncset.done $0x0  }
0xc1: {  	[sflag:s7] =	ssyncadd.s32 $0xFFFFFE70  }
0xc2: {  	_ =	swait.ge [sflag:s7], $0x190  }
0xc3: {  	[sflag:s7] =	ssyncset.done $0x0  }
0xc4: {  	[sflag:s7] =	ssyncadd.s32 $0xFFFFFE70  }
0xc5: {  	_ =	swait.ge [sflag:s7], $0x190  }
0xc6: {  	[sflag:s7] =	ssyncset.done $0x0  }
0xc7: {  	s14 =	simm.s32 $0x0;
	s15 =	simm.s32 $0x40;
	[sflag:s7] =	ssyncadd.s32 $0xFFFFFE70  }
.LBB2_10:
0xc8: {  	p0 =	sne.s32 s15, $0x600;
	v0 =	vld [tilespmem:s14+$0x0]  }
0xc9: {  	v1 =	vld [tilespmem:s14+$0x190];
	_ =	sdelay $0x1  }
0xca: {  	v2 =	vld [tilespmem:s14+$0x320];
	_ =	sdelay $0x1  }
.Ltmp4:
0xcb: {  	v0 =	vmul.u32 $0xB0, v0;
	(pc) =	sbr.rel @p0 .LBB2_10-.Ltmp4, $4  }
0xcc: {  	v1 =	vshll.u32 v1, $0x3  }
0xcd: {  	v0 =	vadd.s32 v0, v1  }
0xce: {  	v0 =	vadd.s32 v2, v0  }
0xcf: {  	[tilespmem:s14+$0x0] =	vst v0;
	s14 =	sshra.s32 s15, $0x2;
	s15 =	sadd.s32 $0x40, s15  }
0xd0: {  	v0 =	vld [tilespmem:s14+$0x0]  }
0xd1: {  	v1 =	vld [tilespmem:s14+$0x190];
	_ =	sdelay $0x1  }
0xd2: {  	v2 =	vld [tilespmem:s14+$0x320];
	_ =	sdelay $0x1  }
0xd3: {  	v0 =	vmul.u32 $0xB0, v0  }
0xd4: {  	v1 =	vshll.u32 v1, $0x3  }
0xd5: {  	v0 =	vadd.s32 v0, v1  }
0xd6: {  	v0 =	vadd.s32 v2, v0  }
0xd7: {  	s15 =	simm.s32 $0x0;
	[tilespmem:s14+$0x0] =	vst v0  }
0xd8: {  	[tilespmem:s8], [sflag:$0x2] =	stream.indirect.gather [hbm4b:s0+s5], $0x80, s15, s5, $0xb8;
	[tilespmem:$0x194B0] =	vst v63  }
0xd9: {  	_ =	swait.ge [sflag:s9], $0xC800  }
0xda: {  	[sflag:s9] =	ssyncset.done $0x0  }
0xdb: {  	[sflag:s9] =	ssyncadd.s32 $0xFFFF3800  }
0xdc: {  	[hbm4b:s31+s15] =	stream.linear.scatter [tilespmem:s8], [sflag:$0x3], $0xC800, $0x38;
	[tilespmem:$0x194B0] =	vst v63  }
0xdd: {  	_ =	swait.ge [sflag:s12], $0xC800  }
0xde: {  	[sflag:s12] =	ssyncset.done $0x0  }
0xdf: {  	[sflag:s12] =	ssyncadd.s32 $0xFFFF3800  }
0xe0: {  	[tilespmem:s15], [sflag:$0x1] =	stream.linear.gather [hbm4b:s16+s15], $0x190, $0x38;
	[tilespmem:$0x194B0] =	vst v63  }
0xe1: {  	_ = 	snop  }
0xe2: {  	[tilespmem:s5], [sflag:$0x1] =	stream.linear.gather [hbm4b:s17+s15], $0x190, $0x38;
	[tilespmem:$0x194B0] =	vst v63  }
0xe3: {  	_ = 	snop  }
0xe4: {  	[tilespmem:s6], [sflag:$0x1] =	stream.linear.gather [hbm4b:s18+s15], $0x190, $0x38;
	[tilespmem:$0x194B0] =	vst v63  }
0xe5: {  	_ =	swait.ge [sflag:s7], $0x190  }
0xe6: {  	[sflag:s7] =	ssyncset.done $0x0  }
0xe7: {  	[sflag:s7] =	ssyncadd.s32 $0xFFFFFE70  }
0xe8: {  	_ =	swait.ge [sflag:s7], $0x190  }
0xe9: {  	[sflag:s7] =	ssyncset.done $0x0  }
0xea: {  	[sflag:s7] =	ssyncadd.s32 $0xFFFFFE70  }
0xeb: {  	_ =	swait.ge [sflag:s7], $0x190  }
0xec: {  	[sflag:s7] =	ssyncset.done $0x0  }
0xed: {  	s14 =	simm.s32 $0x0;
	s15 =	simm.s32 $0x40;
	[sflag:s7] =	ssyncadd.s32 $0xFFFFFE70  }
.LBB2_12:
0xee: {  	p0 =	sne.s32 s15, $0x600;
	v0 =	vld [tilespmem:s14+$0x0]  }
0xef: {  	v1 =	vld [tilespmem:s14+$0x190];
	_ =	sdelay $0x1  }
0xf0: {  	v2 =	vld [tilespmem:s14+$0x320];
	_ =	sdelay $0x1  }
.Ltmp5:
0xf1: {  	v0 =	vmul.u32 $0xB0, v0;
	(pc) =	sbr.rel @p0 .LBB2_12-.Ltmp5, $4  }
0xf2: {  	v1 =	vshll.u32 v1, $0x3  }
0xf3: {  	v0 =	vadd.s32 v0, v1  }
0xf4: {  	v0 =	vadd.s32 v2, v0  }
0xf5: {  	[tilespmem:s14+$0x0] =	vst v0;
	s14 =	sshra.s32 s15, $0x2;
	s15 =	sadd.s32 $0x40, s15  }
0xf6: {  	v0 =	vld [tilespmem:s14+$0x0]  }
0xf7: {  	v1 =	vld [tilespmem:s14+$0x190];
	_ =	sdelay $0x1  }
0xf8: {  	v2 =	vld [tilespmem:s14+$0x320];
	_ =	sdelay $0x1  }
0xf9: {  	v0 =	vmul.u32 $0xB0, v0  }
0xfa: {  	v1 =	vshll.u32 v1, $0x3  }
0xfb: {  	v0 =	vadd.s32 v0, v1  }
0xfc: {  	v0 =	vadd.s32 v2, v0  }
0xfd: {  	s15 =	simm.s32 $0x0;
	[tilespmem:s14+$0x0] =	vst v0  }
0xfe: {  	[tilespmem:s10], [sflag:$0x2] =	stream.indirect.gather [hbm4b:s0+s5], $0x80, s15, s5, $0xb8;
	[tilespmem:$0x194B0] =	vst v63  }
0xff: {  	_ =	swait.ge [sflag:s9], $0xC800  }
0x100: {  	[sflag:s9] =	ssyncset.done $0x0  }
0x101: {  	[sflag:s9] =	ssyncadd.s32 $0xFFFF3800  }
0x102: {  	[hbm4b:s1+s15] =	stream.linear.scatter [tilespmem:s10], [sflag:$0x4], $0xC800, $0x38;
	[tilespmem:$0x194B0] =	vst v63  }
0x103: {  	_ =	swait.ge [sflag:s11], $0xC800  }
0x104: {  	[sflag:s11] =	ssyncset.done $0x0  }
0x105: {  	[sflag:s11] =	ssyncadd.s32 $0xFFFF3800  }
0x106: {  	[tilespmem:s15], [sflag:$0x1] =	stream.linear.gather [hbm4b:s19+s15], $0x190, $0x38;
	[tilespmem:$0x194B0] =	vst v63  }
0x107: {  	_ = 	snop  }
0x108: {  	[tilespmem:s5], [sflag:$0x1] =	stream.linear.gather [hbm4b:s20+s15], $0x190, $0x38;
	[tilespmem:$0x194B0] =	vst v63  }
0x109: {  	_ = 	snop  }
0x10a: {  	[tilespmem:s6], [sflag:$0x1] =	stream.linear.gather [hbm4b:s21+s15], $0x190, $0x38;
	[tilespmem:$0x194B0] =	vst v63  }
0x10b: {  	_ =	swait.ge [sflag:s7], $0x190  }
0x10c: {  	[sflag:s7] =	ssyncset.done $0x0  }
0x10d: {  	[sflag:s7] =	ssyncadd.s32 $0xFFFFFE70  }
0x10e: {  	_ =	swait.ge [sflag:s7], $0x190  }
0x10f: {  	[sflag:s7] =	ssyncset.done $0x0  }
0x110: {  	[sflag:s7] =	ssyncadd.s32 $0xFFFFFE70  }
0x111: {  	_ =	swait.ge [sflag:s7], $0x190  }
0x112: {  	[sflag:s7] =	ssyncset.done $0x0  }
0x113: {  	s14 =	simm.s32 $0x0;
	s15 =	simm.s32 $0x40;
	[sflag:s7] =	ssyncadd.s32 $0xFFFFFE70  }
.LBB2_14:
0x114: {  	p0 =	sne.s32 s15, $0x600;
	v0 =	vld [tilespmem:s14+$0x0]  }
0x115: {  	v1 =	vld [tilespmem:s14+$0x190];
	_ =	sdelay $0x1  }
0x116: {  	v2 =	vld [tilespmem:s14+$0x320];
	_ =	sdelay $0x1  }
.Ltmp6:
0x117: {  	v0 =	vmul.u32 $0xB0, v0;
	(pc) =	sbr.rel @p0 .LBB2_14-.Ltmp6, $4  }
0x118: {  	v1 =	vshll.u32 v1, $0x3  }
0x119: {  	v0 =	vadd.s32 v0, v1  }
0x11a: {  	v0 =	vadd.s32 v2, v0  }
0x11b: {  	[tilespmem:s14+$0x0] =	vst v0;
	s14 =	sshra.s32 s15, $0x2;
	s15 =	sadd.s32 $0x40, s15  }
0x11c: {  	v0 =	vld [tilespmem:s14+$0x0]  }
0x11d: {  	v1 =	vld [tilespmem:s14+$0x190];
	_ =	sdelay $0x1  }
0x11e: {  	v2 =	vld [tilespmem:s14+$0x320];
	_ =	sdelay $0x1  }
0x11f: {  	v0 =	vmul.u32 $0xB0, v0  }
0x120: {  	v1 =	vshll.u32 v1, $0x3  }
0x121: {  	v0 =	vadd.s32 v0, v1  }
0x122: {  	v0 =	vadd.s32 v2, v0  }
0x123: {  	s15 =	simm.s32 $0x0;
	[tilespmem:s14+$0x0] =	vst v0  }
0x124: {  	[tilespmem:s8], [sflag:$0x2] =	stream.indirect.gather [hbm4b:s0+s5], $0x80, s15, s5, $0xb8;
	[tilespmem:$0x194B0] =	vst v63  }
0x125: {  	_ =	swait.ge [sflag:s9], $0xC800  }
0x126: {  	[sflag:s9] =	ssyncset.done $0x0  }
0x127: {  	[sflag:s9] =	ssyncadd.s32 $0xFFFF3800  }
0x128: {  	[hbm4b:s2+s15] =	stream.linear.scatter [tilespmem:s8], [sflag:$0x3], $0xC800, $0x38;
	[tilespmem:$0x194B0] =	vst v63  }
0x129: {  	_ =	swait.ge [sflag:s12], $0xC800  }
0x12a: {  	[sflag:s12] =	ssyncset.done $0x0  }
0x12b: {  	[sflag:s12] =	ssyncadd.s32 $0xFFFF3800  }
0x12c: {  	[tilespmem:s15], [sflag:$0x1] =	stream.linear.gather [hbm4b:s22+s15], $0x190, $0x38;
	[tilespmem:$0x194B0] =	vst v63  }
0x12d: {  	_ = 	snop  }
0x12e: {  	[tilespmem:s5], [sflag:$0x1] =	stream.linear.gather [hbm4b:s23+s15], $0x190, $0x38;
	[tilespmem:$0x194B0] =	vst v63  }
0x12f: {  	_ = 	snop  }
0x130: {  	[tilespmem:s6], [sflag:$0x1] =	stream.linear.gather [hbm4b:s24+s15], $0x190, $0x38;
	[tilespmem:$0x194B0] =	vst v63  }
0x131: {  	_ =	swait.ge [sflag:s7], $0x190  }
0x132: {  	[sflag:s7] =	ssyncset.done $0x0  }
0x133: {  	[sflag:s7] =	ssyncadd.s32 $0xFFFFFE70  }
0x134: {  	_ =	swait.ge [sflag:s7], $0x190  }
0x135: {  	[sflag:s7] =	ssyncset.done $0x0  }
0x136: {  	[sflag:s7] =	ssyncadd.s32 $0xFFFFFE70  }
0x137: {  	_ =	swait.ge [sflag:s7], $0x190  }
0x138: {  	[sflag:s7] =	ssyncset.done $0x0  }
0x139: {  	s14 =	simm.s32 $0x0;
	s15 =	simm.s32 $0x40;
	[sflag:s7] =	ssyncadd.s32 $0xFFFFFE70  }
.LBB2_16:
0x13a: {  	p0 =	sne.s32 s15, $0x600;
	v0 =	vld [tilespmem:s14+$0x0]  }
0x13b: {  	v1 =	vld [tilespmem:s14+$0x190];
	_ =	sdelay $0x1  }
0x13c: {  	v2 =	vld [tilespmem:s14+$0x320];
	_ =	sdelay $0x1  }
.Ltmp7:
0x13d: {  	v0 =	vmul.u32 $0xB0, v0;
	(pc) =	sbr.rel @p0 .LBB2_16-.Ltmp7, $4  }
0x13e: {  	v1 =	vshll.u32 v1, $0x3  }
0x13f: {  	v0 =	vadd.s32 v0, v1  }
0x140: {  	v0 =	vadd.s32 v2, v0  }
0x141: {  	[tilespmem:s14+$0x0] =	vst v0;
	s14 =	sshra.s32 s15, $0x2;
	s15 =	sadd.s32 $0x40, s15  }
0x142: {  	v0 =	vld [tilespmem:s14+$0x0]  }
0x143: {  	v1 =	vld [tilespmem:s14+$0x190];
	_ =	sdelay $0x1  }
0x144: {  	v2 =	vld [tilespmem:s14+$0x320];
	_ =	sdelay $0x1  }
0x145: {  	v0 =	vmul.u32 $0xB0, v0  }
0x146: {  	v1 =	vshll.u32 v1, $0x3  }
0x147: {  	v0 =	vadd.s32 v0, v1  }
0x148: {  	v0 =	vadd.s32 v2, v0  }
0x149: {  	[tilespmem:s14+$0x0] =	vst v0  }
0x14a: {  	[tilespmem:s10], [sflag:$0x2] =	stream.indirect.gather [hbm4b:s0+s5], $0x80, s25, s5, $0xb8;
	[tilespmem:$0x194B0] =	vst v63  }
0x14b: {  	_ =	swait.ge [sflag:s9], $0xC800  }
0x14c: {  	[sflag:s9] =	ssyncset.done $0x0  }
0x14d: {  	s13 =	sadd.s32 $0x1, s13;
	[sflag:s9] =	ssyncadd.s32 $0xFFFF3800  }
0x14e: {  	[hbm4b:s3+s25] =	stream.linear.scatter [tilespmem:s10], [sflag:$0x4], $0xC800, $0x38;
	[tilespmem:$0x194B0] =	vst v63  }
0x14f: {  	p0 =	sne.s32 s13, s4;
	_ =	swait.ge [sflag:s11], $0xC800  }
.Ltmp8:
0x150: {  	[sflag:s11] =	ssyncset.done $0x0;
	(pc) =	sbr.rel @p0 .LBB2_1-.Ltmp8, $4  }
0x151: {  	[sflag:s11] =	ssyncadd.s32 $0xFFFF3800  }
0x152: {  	_ =	swait.ge [sflag:s12], $0xC800  }
0x153: {  	[sflag:s12] =	ssyncset.done $0x0  }
0x154: {  	[sflag:s12] =	ssyncadd.s32 $0xFFFF3800  }
0x155: {  	_ =	sfence.sel $0x180000  }
0x156: {  	[bflag:$0x0] =	sbarrier.arrive $0xFFFF  }
0x157: {  	_ =	strace $0x90000047  }
0x158: {  	s0 =	stileid.u32;
	[bflag:$0x2] =	sbarrier.arrive $0xFFFF  }
0x159: {  	p0 =	sne.s32 s0, $0x0;
	s0 =	rddreg [dreg:$0x5]  }
0x15a: {  	s0 =	sadd.s32 @!p0 $0x100000, s0  }
0x15b: {  	[sflag:s0] =	ssyncadd.tile.s32 @!p0 $0x1;
	_ =	shalt  }
.Lfunc_end2:
_tile_overlayer_lowered:
.L_overlay_start_2:
0x15c: {  	(tag) =	ssettag $0x2  }
0x15d: {  	s0 =	rddreg [dreg:$0x0];
	s2 =	stileid.u32  }
0x15e: {  	s1 =	rddreg [dreg:$0x1];
	p0 =	sne.s32 s2, $0x0  }
0x15f: {  	s3 =	rddreg [dreg:$0x2];
	[bflag:$0x3] =	sbarrier.arrive $0xFFFF;
	s2 =	simm.s32 @!p0 $0x1C05  }
0x160: {  	[timem:s3], [sflag:s2] =	dma.local @!p0 [hbm:s0], s1  }
0x161: {  	s0 =	simm.s32 @!p0 $0x5  }
0x162: {  	_ =	swait.ge @!p0 [sflag:s0], s1  }
0x163: {  	s1 =	ssub.s32 @!p0 $0x0, s1;
	[sflag:s0] =	ssyncset.done @!p0 $0x0  }
0x164: {  	[sflag:s0] =	ssyncadd.s32 @!p0 s1  }
0x165: {  	[bflag:$0x3] =	sbarrier.arrive $0xFFFF  }
0x166: {  	_ =	shalt  }

</sc_bundles>
